<compile_context>
chip_gen: v7x
topology: tpu7x:2x2x1
jax: 0.10.2.dev20260603
libtpu: 0.0.44.dev20260713+nightly
codegen_flags: <defaults>
</compile_context>

<pallas_src>
import functools
import math

import jax
import jax.numpy as jnp
from jax import lax
from jax.experimental import pallas as pl
from jax.experimental.pallas import tpu as pltpu
from jax.experimental.pallas import tpu_sc as plsc

_PZBL = 0.23
_A0 = 0.4685
_C = (0.02817, 0.28022, 0.50986, 0.18175)
_D = (-0.20162, -0.4029, -0.94229, -3.1998)

_SPAD = 128
_LN2 = math.log(2.0)


def _make_sc_kernel(n_nodes, n_edges):
    info = plsc.get_sparse_core_info()
    nc, ns, L = info.num_cores, info.num_subcores, info.num_lanes
    epw = n_edges // (nc * ns)
    mesh = plsc.VectorSubcoreMesh(core_axis_name="c", subcore_axis_name="s")

    @functools.partial(
        pl.kernel,
        mesh=mesh,
        compiler_params=pltpu.CompilerParams(needs_layout_passes=False),
        out_type=jax.ShapeDtypeStruct((n_edges,), jnp.float32),
        scratch_types=[
            pltpu.VMEM((n_nodes,), jnp.int32),
            pltpu.VMEM((_SPAD,), jnp.float32),
            pltpu.VMEM((_SPAD,), jnp.float32),
            pltpu.VMEM((L,), jnp.float32),
            pltpu.VMEM((n_nodes,), jnp.float32),
            pltpu.VMEM((n_nodes,), jnp.float32),
            pltpu.VMEM((epw,), jnp.int32),
            pltpu.VMEM((epw,), jnp.int32),
            pltpu.VMEM((epw,), jnp.float32),
            pltpu.VMEM((epw,), jnp.float32),
            pltpu.SemaphoreType.DMA,
        ],
    )
    def zbl_sc(types_hbm, z_hbm, qq_hbm, e_hbm, r_hbm, out_hbm,
               types_v, z_v, zp_v, qq_v, za_v, zpn_v, ei_v, ej_v, r_v, out_v,
               sem):
        wid = lax.axis_index("s") * nc + lax.axis_index("c")
        base = wid * epw
        half = epw // 2
        cps = []
        for h in range(2):
            hb = base + h * half
            cps.append((
                pltpu.async_copy(e_hbm.at[pl.ds(hb, half)],
                                 ei_v.at[pl.ds(h * half, half)], sem),
                pltpu.async_copy(e_hbm.at[pl.ds(n_edges + hb, half)],
                                 ej_v.at[pl.ds(h * half, half)], sem),
                pltpu.async_copy(r_hbm.at[pl.ds(hb, half)],
                                 r_v.at[pl.ds(h * half, half)], sem),
            ))
        pltpu.sync_copy(types_hbm, types_v)
        pltpu.sync_copy(z_hbm, z_v)
        pltpu.sync_copy(qq_hbm, qq_v)

        inv_a0 = jnp.float32(1.0 / _A0)
        ln2 = jnp.float32(_LN2)
        p = jnp.float32(_PZBL)
        one = jnp.float32(1.0)

        @plsc.parallel_loop(0, _SPAD, step=L, unroll=2)
        def species(off):
            z = z_v[pl.ds(off, L)]
            bits = plsc.bitcast(z, jnp.int32)
            e = (lax.shift_right_arithmetic(bits, 23) - 127).astype(jnp.float32)
            y = e * ln2
            for _ in range(4):
                y = y + (z * jnp.exp(-y) - one)
            zp_v[pl.ds(off, L)] = jnp.exp(p * y) * inv_a0

        @plsc.parallel_loop(0, n_nodes, step=L, unroll=4)
        def nodes(off):
            tv = types_v[pl.ds(off, L)]
            za_v[pl.ds(off, L)] = plsc.load_gather(z_v, [tv])
            zpn_v[pl.ds(off, L)] = plsc.load_gather(zp_v, [tv])

        qv = qq_v[pl.ds(0, L)]
        cq1, cq2, cq3, cq4 = (jnp.float32(c) * qv for c in _C)
        d1, d2, d3, d4 = (jnp.float32(d) for d in _D)

        wb = []
        for h in range(2):
            for cp in cps[h]:
                cp.wait()
            hoff = h * half

            @plsc.parallel_loop(hoff, hoff + half, step=L, unroll=4)
            def body(off):
                iv = ei_v[pl.ds(off, L)]
                jv = ej_v[pl.ds(off, L)]
                rv = r_v[pl.ds(off, L)]
                zi = plsc.load_gather(za_v, [iv])
                zj = plsc.load_gather(za_v, [jv])
                pi = plsc.load_gather(zpn_v, [iv])
                pj = plsc.load_gather(zpn_v, [jv])
                x = (pi + pj) * rv
                psi = (cq1 * jnp.exp(d1 * x) + cq2 * jnp.exp(d2 * x)
                       + cq3 * jnp.exp(d3 * x) + cq4 * jnp.exp(d4 * x))
                out_v[pl.ds(off, L)] = (zi * zj / rv) * psi

            wb.append(pltpu.async_copy(
                out_v.at[pl.ds(hoff, half)],
                out_hbm.at[pl.ds(base + hoff, half)], sem))
        for w in wb:
            w.wait()

    return zbl_sc


def kernel(Z, r, atom_types, edge_index, qqr2exesquare):
    n_edges = r.shape[0]
    n_species = Z.shape[0]
    n_nodes = atom_types.shape[0]
    assert n_edges % (32 * 16) == 0 and n_nodes % 16 == 0

    types32 = atom_types.astype(jnp.int32)
    eflat = edge_index.astype(jnp.int32).reshape(-1)
    z_pad = jnp.pad(Z.astype(jnp.float32), (0, _SPAD - n_species),
                    constant_values=1.0)
    qq_b = jnp.broadcast_to(jnp.float32(qqr2exesquare), (16,))

    return _make_sc_kernel(n_nodes, n_edges)(types32, z_pad, qq_b, eflat, r)

# --- scband reference (transcript-rebuilt; emitter-appended) ---
"""Pipeline reference for scband-zbl-50697793962075 (READ-ONLY COPY).

The authoritative reference and input builder live on the scoring server;
editing this copy changes nothing except your own understanding.
"""

import jax, jax.numpy as jnp
import numpy as np

N_NODES = 10000
N_EDGES = 640000
N_SPECIES = 100


def setup_inputs(seed: int = 0) -> dict:
    key = jax.random.key(seed)
    k1, k2, k3 = jax.random.split(key, 3)
    # Z: per-species atomic numbers (1..100), strictly positive so pow/division are well-defined
    Z = jnp.arange(1, N_SPECIES + 1, dtype=jnp.float32)
    # r: edge distances in Angstrom-like range, bounded away from 0 to avoid divide-by-zero
    r = jax.random.uniform(k1, (N_EDGES,), dtype=jnp.float32, minval=0.5, maxval=5.5)
    atom_types = jax.random.randint(k2, (N_NODES,), 0, N_SPECIES, dtype=jnp.int64)
    edge_index = jax.random.randint(k3, (2, N_EDGES), 0, N_NODES, dtype=jnp.int64)
    qqr2exesquare = 14.399645  # e^2 / (4 pi eps0) in eV*Angstrom
    return {"Z": Z, "r": r, "atom_types": atom_types, "edge_index": edge_index, "qqr2exesquare": qqr2exesquare}


def reference(Z, r, atom_types, edge_index, qqr2exesquare):
    pzbl = 0.23
    a0 = 0.4685
    c1 = 0.02817
    c2 = 0.28022
    c3 = 0.50986
    c4 = 0.18175
    d1 = -0.20162
    d2 = -0.4029
    d3 = -0.94229
    d4 = -3.1998
    # gather: edge endpoint -> species type
    edge_types = jnp.take(atom_types, edge_index.reshape(-1), axis=0)
    # gather: species type -> atomic number
    Ze = jnp.take(Z, edge_types.reshape(-1), axis=0).reshape(2, -1)
    Zi, Zj = Ze[0], Ze[1]
    x = (jnp.power(Zi, pzbl) + jnp.power(Zj, pzbl)) * r / a0
    psi = c1 * jnp.exp(d1 * x) + c2 * jnp.exp(d2 * x) + c3 * jnp.exp(d3 * x) + c4 * jnp.exp(d4 * x)
    eng = qqr2exesquare * (Zi * Zj / r) * psi
    return eng

if __name__ == "__main__":
    import jax
    _d = setup_inputs()
    print(jax.jit(kernel)(*tuple(_d.values())))

</pallas_src>

<mosaic_0001>
#map = affine_map<(d0, d1) -> (0)>
module attributes {stable_mosaic.version = 14 : i64} {
  func.func @zbl_sc(%arg0: i32, %arg1: i32, %arg2: memref<10000xi32, #tpu.memory_space<hbm>>, %arg3: memref<128xf32, #tpu.memory_space<hbm>>, %arg4: memref<16xf32, #tpu.memory_space<hbm>>, %arg5: memref<1280000xi32, #tpu.memory_space<hbm>>, %arg6: memref<640000xf32, #tpu.memory_space<hbm>>, %arg7: memref<640000xf32, #tpu.memory_space<hbm>>, %arg8: memref<10000xi32, #tpu.memory_space<vmem>>, %arg9: memref<128xf32, #tpu.memory_space<vmem>>, %arg10: memref<128xf32, #tpu.memory_space<vmem>>, %arg11: memref<16xf32, #tpu.memory_space<vmem>>, %arg12: memref<10000xf32, #tpu.memory_space<vmem>>, %arg13: memref<10000xf32, #tpu.memory_space<vmem>>, %arg14: memref<20000xi32, #tpu.memory_space<vmem>>, %arg15: memref<20000xi32, #tpu.memory_space<vmem>>, %arg16: memref<20000xf32, #tpu.memory_space<vmem>>, %arg17: memref<20000xf32, #tpu.memory_space<vmem>>, %arg18: memref<!tpu.dma_semaphore, #tpu.memory_space<semaphore_mem>>) attributes {dimension_semantics = [#tpu.dimension_semantics<core_parallel>, #tpu.dimension_semantics<subcore_parallel>], iteration_bounds = array<i64: 2, 16>, scalar_prefetch = 0 : i64, scratch_operands = 11 : i64, tpu.core_type = #tpu.core_type<sc_vector_subcore>, window_params = [{transform_indices = #map}, {transform_indices = #map}, {transform_indices = #map}, {transform_indices = #map}, {transform_indices = #map}, {transform_indices = #map}]} {
    %mul3A = arith.constant 2 : i32
    %mul3A_0 = arith.muli %arg1, %mul3A : i32
    %add3A = arith.addi %mul3A_0, %arg0 : i32
    %mul3A_1 = arith.constant 20000 : i32
    %mul3A_2 = arith.muli %add3A, %mul3A_1 : i32
    %add3A_3 = arith.constant 0 : i32
    %add3A_4 = arith.addi %mul3A_2, %add3A_3 : i32
    %dma_start3A = arith.constant 0 : i32
    %dma_start3A_5 = tpu.memref_slice %arg14[%dma_start3A] : memref<20000xi32, #tpu.memory_space<vmem>> -> memref<10000xi32, #tpu.memory_space<vmem>>
    %dma_start3A_6 = tpu.memref_slice %arg5[%add3A_4] : memref<1280000xi32, #tpu.memory_space<hbm>> -> memref<10000xi32, #tpu.memory_space<hbm>>
    %dma_start3A_7 = arith.constant 0 : i32
    %dma_start3A_8 = tpu.memref_slice %arg14[%dma_start3A_7] : memref<20000xi32, #tpu.memory_space<vmem>> -> memref<10000xi32, #tpu.memory_space<vmem>>
    %dma_start3A_9 = tpu.memref_slice %arg5[%add3A_4] : memref<1280000xi32, #tpu.memory_space<hbm>> -> memref<10000xi32, #tpu.memory_space<hbm>>
    tpu.enqueue_dma source(%dma_start3A_9 : memref<10000xi32, #tpu.memory_space<hbm>>) target(%dma_start3A_8 : memref<10000xi32, #tpu.memory_space<vmem>>) target_semaphore(%arg18 : memref<!tpu.dma_semaphore, #tpu.memory_space<semaphore_mem>>)
    %add3A_10 = arith.constant 640000 : i32
    %add3A_11 = arith.addi %add3A_10, %add3A_4 : i32
    %dma_start3A_12 = arith.constant 0 : i32
    %dma_start3A_13 = tpu.memref_slice %arg15[%dma_start3A_12] : memref<20000xi32, #tpu.memory_space<vmem>> -> memref<10000xi32, #tpu.memory_space<vmem>>
    %dma_start3A_14 = tpu.memref_slice %arg5[%add3A_11] : memref<1280000xi32, #tpu.memory_space<hbm>> -> memref<10000xi32, #tpu.memory_space<hbm>>
    %dma_start3A_15 = arith.constant 0 : i32
    %dma_start3A_16 = tpu.memref_slice %arg15[%dma_start3A_15] : memref<20000xi32, #tpu.memory_space<vmem>> -> memref<10000xi32, #tpu.memory_space<vmem>>
    %dma_start3A_17 = tpu.memref_slice %arg5[%add3A_11] : memref<1280000xi32, #tpu.memory_space<hbm>> -> memref<10000xi32, #tpu.memory_space<hbm>>
    tpu.enqueue_dma source(%dma_start3A_17 : memref<10000xi32, #tpu.memory_space<hbm>>) target(%dma_start3A_16 : memref<10000xi32, #tpu.memory_space<vmem>>) target_semaphore(%arg18 : memref<!tpu.dma_semaphore, #tpu.memory_space<semaphore_mem>>)
    %dma_start3A_18 = arith.constant 0 : i32
    %dma_start3A_19 = tpu.memref_slice %arg16[%dma_start3A_18] : memref<20000xf32, #tpu.memory_space<vmem>> -> memref<10000xf32, #tpu.memory_space<vmem>>
    %dma_start3A_20 = tpu.memref_slice %arg6[%add3A_4] : memref<640000xf32, #tpu.memory_space<hbm>> -> memref<10000xf32, #tpu.memory_space<hbm>>
    %dma_start3A_21 = arith.constant 0 : i32
    %dma_start3A_22 = tpu.memref_slice %arg16[%dma_start3A_21] : memref<20000xf32, #tpu.memory_space<vmem>> -> memref<10000xf32, #tpu.memory_space<vmem>>
    %dma_start3A_23 = tpu.memref_slice %arg6[%add3A_4] : memref<640000xf32, #tpu.memory_space<hbm>> -> memref<10000xf32, #tpu.memory_space<hbm>>
    tpu.enqueue_dma source(%dma_start3A_23 : memref<10000xf32, #tpu.memory_space<hbm>>) target(%dma_start3A_22 : memref<10000xf32, #tpu.memory_space<vmem>>) target_semaphore(%arg18 : memref<!tpu.dma_semaphore, #tpu.memory_space<semaphore_mem>>)
    %add3A_24 = arith.constant 10000 : i32
    %add3A_25 = arith.addi %mul3A_2, %add3A_24 : i32
    %dma_start3A_26 = arith.constant 10000 : i32
    %dma_start3A_27 = tpu.memref_slice %arg14[%dma_start3A_26] : memref<20000xi32, #tpu.memory_space<vmem>> -> memref<10000xi32, #tpu.memory_space<vmem>>
    %dma_start3A_28 = tpu.memref_slice %arg5[%add3A_25] : memref<1280000xi32, #tpu.memory_space<hbm>> -> memref<10000xi32, #tpu.memory_space<hbm>>
    %dma_start3A_29 = arith.constant 10000 : i32
    %dma_start3A_30 = tpu.memref_slice %arg14[%dma_start3A_29] : memref<20000xi32, #tpu.memory_space<vmem>> -> memref<10000xi32, #tpu.memory_space<vmem>>
    %dma_start3A_31 = tpu.memref_slice %arg5[%add3A_25] : memref<1280000xi32, #tpu.memory_space<hbm>> -> memref<10000xi32, #tpu.memory_space<hbm>>
    tpu.enqueue_dma source(%dma_start3A_31 : memref<10000xi32, #tpu.memory_space<hbm>>) target(%dma_start3A_30 : memref<10000xi32, #tpu.memory_space<vmem>>) target_semaphore(%arg18 : memref<!tpu.dma_semaphore, #tpu.memory_space<semaphore_mem>>)
    %add3A_32 = arith.constant 640000 : i32
    %add3A_33 = arith.addi %add3A_32, %add3A_25 : i32
    %dma_start3A_34 = arith.constant 10000 : i32
    %dma_start3A_35 = tpu.memref_slice %arg15[%dma_start3A_34] : memref<20000xi32, #tpu.memory_space<vmem>> -> memref<10000xi32, #tpu.memory_space<vmem>>
    %dma_start3A_36 = tpu.memref_slice %arg5[%add3A_33] : memref<1280000xi32, #tpu.memory_space<hbm>> -> memref<10000xi32, #tpu.memory_space<hbm>>
    %dma_start3A_37 = arith.constant 10000 : i32
    %dma_start3A_38 = tpu.memref_slice %arg15[%dma_start3A_37] : memref<20000xi32, #tpu.memory_space<vmem>> -> memref<10000xi32, #tpu.memory_space<vmem>>
    %dma_start3A_39 = tpu.memref_slice %arg5[%add3A_33] : memref<1280000xi32, #tpu.memory_space<hbm>> -> memref<10000xi32, #tpu.memory_space<hbm>>
    tpu.enqueue_dma source(%dma_start3A_39 : memref<10000xi32, #tpu.memory_space<hbm>>) target(%dma_start3A_38 : memref<10000xi32, #tpu.memory_space<vmem>>) target_semaphore(%arg18 : memref<!tpu.dma_semaphore, #tpu.memory_space<semaphore_mem>>)
    %dma_start3A_40 = arith.constant 10000 : i32
    %dma_start3A_41 = tpu.memref_slice %arg16[%dma_start3A_40] : memref<20000xf32, #tpu.memory_space<vmem>> -> memref<10000xf32, #tpu.memory_space<vmem>>
    %dma_start3A_42 = tpu.memref_slice %arg6[%add3A_25] : memref<640000xf32, #tpu.memory_space<hbm>> -> memref<10000xf32, #tpu.memory_space<hbm>>
    %dma_start3A_43 = arith.constant 10000 : i32
    %dma_start3A_44 = tpu.memref_slice %arg16[%dma_start3A_43] : memref<20000xf32, #tpu.memory_space<vmem>> -> memref<10000xf32, #tpu.memory_space<vmem>>
    %dma_start3A_45 = tpu.memref_slice %arg6[%add3A_25] : memref<640000xf32, #tpu.memory_space<hbm>> -> memref<10000xf32, #tpu.memory_space<hbm>>
    tpu.enqueue_dma source(%dma_start3A_45 : memref<10000xf32, #tpu.memory_space<hbm>>) target(%dma_start3A_44 : memref<10000xf32, #tpu.memory_space<vmem>>) target_semaphore(%arg18 : memref<!tpu.dma_semaphore, #tpu.memory_space<semaphore_mem>>)
    "tpu.region"() ({
      %run_scoped3A = tpu.sem_alloc : memref<!tpu.dma_semaphore, #tpu.memory_space<semaphore_mem>>
      tpu.enqueue_dma source(%arg2 : memref<10000xi32, #tpu.memory_space<hbm>>) target(%arg8 : memref<10000xi32, #tpu.memory_space<vmem>>) target_semaphore(%run_scoped3A : memref<!tpu.dma_semaphore, #tpu.memory_space<semaphore_mem>>)
      tpu.wait_dma2 semaphore(%run_scoped3A : memref<!tpu.dma_semaphore, #tpu.memory_space<semaphore_mem>>) src(%arg2 : memref<10000xi32, #tpu.memory_space<hbm>>) dst(%arg8 : memref<10000xi32, #tpu.memory_space<vmem>>)
      tpu.yield
    }) : () -> ()
    "tpu.region"() ({
      %run_scoped3A = tpu.sem_alloc : memref<!tpu.dma_semaphore, #tpu.memory_space<semaphore_mem>>
      tpu.enqueue_dma source(%arg3 : memref<128xf32, #tpu.memory_space<hbm>>) target(%arg9 : memref<128xf32, #tpu.memory_space<vmem>>) target_semaphore(%run_scoped3A : memref<!tpu.dma_semaphore, #tpu.memory_space<semaphore_mem>>)
      tpu.wait_dma2 semaphore(%run_scoped3A : memref<!tpu.dma_semaphore, #tpu.memory_space<semaphore_mem>>) src(%arg3 : memref<128xf32, #tpu.memory_space<hbm>>) dst(%arg9 : memref<128xf32, #tpu.memory_space<vmem>>)
      tpu.yield
    }) : () -> ()
    "tpu.region"() ({
      %run_scoped3A = tpu.sem_alloc : memref<!tpu.dma_semaphore, #tpu.memory_space<semaphore_mem>>
      tpu.enqueue_dma source(%arg4 : memref<16xf32, #tpu.memory_space<hbm>>) target(%arg11 : memref<16xf32, #tpu.memory_space<vmem>>) target_semaphore(%run_scoped3A : memref<!tpu.dma_semaphore, #tpu.memory_space<semaphore_mem>>)
      tpu.wait_dma2 semaphore(%run_scoped3A : memref<!tpu.dma_semaphore, #tpu.memory_space<semaphore_mem>>) src(%arg4 : memref<16xf32, #tpu.memory_space<hbm>>) dst(%arg11 : memref<16xf32, #tpu.memory_space<vmem>>)
      tpu.yield
    }) : () -> ()
    %parallel_loop3A = arith.constant 0 : i32
    %parallel_loop3A_46 = arith.constant 128 : i32
    %parallel_loop3A_47 = arith.constant 16 : i32
    %parallel_loop3A_48 = arith.constant 0.693147182 : f32
    %parallel_loop3A_49 = arith.constant 1.000000e+00 : f32
    %parallel_loop3A_50 = arith.constant 2.300000e-01 : f32
    %parallel_loop3A_51 = arith.constant 2.13447165 : f32
    scf.for %parallel_loop3A_145 = %parallel_loop3A to %parallel_loop3A_46 step %parallel_loop3A_47  : i32 {
      %parallel_loop3A_146 = arith.index_cast %parallel_loop3A_145 : i32 to index
      %parallel_loop3A_147 = tpu.vector_load %arg9[%parallel_loop3A_146] {strides = array<i32>} : memref<128xf32, #tpu.memory_space<vmem>>, vector<16xf32>,
      %parallel_loop3A_148 = vector.bitcast %parallel_loop3A_147 : vector<16xf32> to vector<16xi32>
      %parallel_loop3A_149 = arith.constant 23 : i32
      %parallel_loop3A_150 = vector.broadcast %parallel_loop3A_149 : i32 to vector<16xi32>
      %parallel_loop3A_151 = arith.shrsi %parallel_loop3A_148, %parallel_loop3A_150 : vector<16xi32>
      %parallel_loop3A_152 = arith.constant 127 : i32
      %parallel_loop3A_153 = vector.broadcast %parallel_loop3A_152 : i32 to vector<16xi32>
      %parallel_loop3A_154 = arith.subi %parallel_loop3A_151, %parallel_loop3A_153 : vector<16xi32>
      %parallel_loop3A_155 = arith.sitofp %parallel_loop3A_154 : vector<16xi32> to vector<16xf32>
      %parallel_loop3A_156 = vector.broadcast %parallel_loop3A_48 : f32 to vector<16xf32>
      %parallel_loop3A_157 = arith.mulf %parallel_loop3A_155, %parallel_loop3A_156 : vector<16xf32>
      %parallel_loop3A_158 = arith.constant 0.000000e+00 : f32
      %parallel_loop3A_159 = vector.broadcast %parallel_loop3A_158 : f32 to vector<16xf32>
      %parallel_loop3A_160 = arith.subf %parallel_loop3A_159, %parallel_loop3A_157 : vector<16xf32>
      %parallel_loop3A_161 = math.exp %parallel_loop3A_160 : vector<16xf32>
      %parallel_loop3A_162 = arith.mulf %parallel_loop3A_147, %parallel_loop3A_161 : vector<16xf32>
      %parallel_loop3A_163 = vector.broadcast %parallel_loop3A_49 : f32 to vector<16xf32>
      %parallel_loop3A_164 = arith.subf %parallel_loop3A_162, %parallel_loop3A_163 : vector<16xf32>
      %parallel_loop3A_165 = arith.addf %parallel_loop3A_157, %parallel_loop3A_164 : vector<16xf32>
      %parallel_loop3A_166 = arith.constant 0.000000e+00 : f32
      %parallel_loop3A_167 = vector.broadcast %parallel_loop3A_166 : f32 to vector<16xf32>
      %parallel_loop3A_168 = arith.subf %parallel_loop3A_167, %parallel_loop3A_165 : vector<16xf32>
      %parallel_loop3A_169 = math.exp %parallel_loop3A_168 : vector<16xf32>
      %parallel_loop3A_170 = arith.mulf %parallel_loop3A_147, %parallel_loop3A_169 : vector<16xf32>
      %parallel_loop3A_171 = vector.broadcast %parallel_loop3A_49 : f32 to vector<16xf32>
      %parallel_loop3A_172 = arith.subf %parallel_loop3A_170, %parallel_loop3A_171 : vector<16xf32>
      %parallel_loop3A_173 = arith.addf %parallel_loop3A_165, %parallel_loop3A_172 : vector<16xf32>
      %parallel_loop3A_174 = arith.constant 0.000000e+00 : f32
      %parallel_loop3A_175 = vector.broadcast %parallel_loop3A_174 : f32 to vector<16xf32>
      %parallel_loop3A_176 = arith.subf %parallel_loop3A_175, %parallel_loop3A_173 : vector<16xf32>
      %parallel_loop3A_177 = math.exp %parallel_loop3A_176 : vector<16xf32>
      %parallel_loop3A_178 = arith.mulf %parallel_loop3A_147, %parallel_loop3A_177 : vector<16xf32>
      %parallel_loop3A_179 = vector.broadcast %parallel_loop3A_49 : f32 to vector<16xf32>
      %parallel_loop3A_180 = arith.subf %parallel_loop3A_178, %parallel_loop3A_179 : vector<16xf32>
      %parallel_loop3A_181 = arith.addf %parallel_loop3A_173, %parallel_loop3A_180 : vector<16xf32>
      %parallel_loop3A_182 = arith.constant 0.000000e+00 : f32
      %parallel_loop3A_183 = vector.broadcast %parallel_loop3A_182 : f32 to vector<16xf32>
      %parallel_loop3A_184 = arith.subf %parallel_loop3A_183, %parallel_loop3A_181 : vector<16xf32>
      %parallel_loop3A_185 = math.exp %parallel_loop3A_184 : vector<16xf32>
      %parallel_loop3A_186 = arith.mulf %parallel_loop3A_147, %parallel_loop3A_185 : vector<16xf32>
      %parallel_loop3A_187 = vector.broadcast %parallel_loop3A_49 : f32 to vector<16xf32>
      %parallel_loop3A_188 = arith.subf %parallel_loop3A_186, %parallel_loop3A_187 : vector<16xf32>
      %parallel_loop3A_189 = arith.addf %parallel_loop3A_181, %parallel_loop3A_188 : vector<16xf32>
      %parallel_loop3A_190 = vector.broadcast %parallel_loop3A_50 : f32 to vector<16xf32>
      %parallel_loop3A_191 = arith.mulf %parallel_loop3A_190, %parallel_loop3A_189 : vector<16xf32>
      %parallel_loop3A_192 = math.exp %parallel_loop3A_191 : vector<16xf32>
      %parallel_loop3A_193 = vector.broadcast %parallel_loop3A_51 : f32 to vector<16xf32>
      %parallel_loop3A_194 = arith.mulf %parallel_loop3A_192, %parallel_loop3A_193 : vector<16xf32>
      %parallel_loop3A_195 = arith.index_cast %parallel_loop3A_145 : i32 to index
      %parallel_loop3A_196 = tpu.vector_load %arg10[%parallel_loop3A_195] {strides = array<i32>} : memref<128xf32, #tpu.memory_space<vmem>>, vector<16xf32>,
      tpu.vector_store %arg10[%parallel_loop3A_195], %parallel_loop3A_194 {strides = array<i32>} : memref<128xf32, #tpu.memory_space<vmem>>, vector<16xf32>,
    } {sc.loop_unroll_factor = 2 : i64, sc.parallel_access}
    %parallel_loop3A_52 = arith.constant 0 : i32
    %parallel_loop3A_53 = arith.constant 10000 : i32
    %parallel_loop3A_54 = arith.constant 16 : i32
    scf.for %parallel_loop3A_145 = %parallel_loop3A_52 to %parallel_loop3A_53 step %parallel_loop3A_54  : i32 {
      %parallel_loop3A_146 = arith.index_cast %parallel_loop3A_145 : i32 to index
      %parallel_loop3A_147 = tpu.vector_load %arg8[%parallel_loop3A_146] {strides = array<i32>} : memref<10000xi32, #tpu.memory_space<vmem>>, vector<16xi32>,
      %parallel_loop3A_148 = tpu.vector_load_idx %arg9[%parallel_loop3A_147] : memref<128xf32, #tpu.memory_space<vmem>>[vector<16xi32>], vector<16xf32>,
      %parallel_loop3A_149 = arith.index_cast %parallel_loop3A_145 : i32 to index
      %parallel_loop3A_150 = tpu.vector_load %arg12[%parallel_loop3A_149] {strides = array<i32>} : memref<10000xf32, #tpu.memory_space<vmem>>, vector<16xf32>,
      tpu.vector_store %arg12[%parallel_loop3A_149], %parallel_loop3A_148 {strides = array<i32>} : memref<10000xf32, #tpu.memory_space<vmem>>, vector<16xf32>,
      %parallel_loop3A_151 = tpu.vector_load_idx %arg10[%parallel_loop3A_147] : memref<128xf32, #tpu.memory_space<vmem>>[vector<16xi32>], vector<16xf32>,
      %parallel_loop3A_152 = arith.index_cast %parallel_loop3A_145 : i32 to index
      %parallel_loop3A_153 = tpu.vector_load %arg13[%parallel_loop3A_152] {strides = array<i32>} : memref<10000xf32, #tpu.memory_space<vmem>>, vector<16xf32>,
      tpu.vector_store %arg13[%parallel_loop3A_152], %parallel_loop3A_151 {strides = array<i32>} : memref<10000xf32, #tpu.memory_space<vmem>>, vector<16xf32>,
    } {sc.loop_unroll_factor = 4 : i64, sc.parallel_access}
    %get3A = arith.constant 0 : index
    %get3A_55 = tpu.vector_load %arg11[%get3A] {strides = array<i32>} : memref<16xf32, #tpu.memory_space<vmem>>, vector<16xf32>,
    %mul3A_56 = arith.constant 2.817000e-02 : f32
    %mul3A_57 = vector.broadcast %mul3A_56 : f32 to vector<16xf32>
    %mul3A_58 = arith.mulf %mul3A_57, %get3A_55 : vector<16xf32>
    %mul3A_59 = arith.constant 2.802200e-01 : f32
    %mul3A_60 = vector.broadcast %mul3A_59 : f32 to vector<16xf32>
    %mul3A_61 = arith.mulf %mul3A_60, %get3A_55 : vector<16xf32>
    %mul3A_62 = arith.constant 5.098600e-01 : f32
    %mul3A_63 = vector.broadcast %mul3A_62 : f32 to vector<16xf32>
    %mul3A_64 = arith.mulf %mul3A_63, %get3A_55 : vector<16xf32>
    %mul3A_65 = arith.constant 1.817500e-01 : f32
    %mul3A_66 = vector.broadcast %mul3A_65 : f32 to vector<16xf32>
    %mul3A_67 = arith.mulf %mul3A_66, %get3A_55 : vector<16xf32>
    %dma_wait3A = arith.constant 0 : i32
    %dma_wait3A_68 = tpu.memref_slice %arg14[%dma_wait3A] : memref<20000xi32, #tpu.memory_space<vmem>> -> memref<10000xi32, #tpu.memory_space<vmem>>
    %dma_wait3A_69 = tpu.memref_slice %arg5[%add3A_4] : memref<1280000xi32, #tpu.memory_space<hbm>> -> memref<10000xi32, #tpu.memory_space<hbm>>
    %dma_wait3A_70 = arith.constant 0 : i32
    %dma_wait3A_71 = tpu.memref_slice %arg14[%dma_wait3A_70] : memref<20000xi32, #tpu.memory_space<vmem>> -> memref<10000xi32, #tpu.memory_space<vmem>>
    %dma_wait3A_72 = tpu.memref_slice %arg5[%add3A_4] : memref<1280000xi32, #tpu.memory_space<hbm>> -> memref<10000xi32, #tpu.memory_space<hbm>>
    tpu.wait_dma2 semaphore(%arg18 : memref<!tpu.dma_semaphore, #tpu.memory_space<semaphore_mem>>) src(%dma_wait3A_72 : memref<10000xi32, #tpu.memory_space<hbm>>) dst(%dma_wait3A_71 : memref<10000xi32, #tpu.memory_space<vmem>>)
    %dma_wait3A_73 = arith.constant 0 : i32
    %dma_wait3A_74 = tpu.memref_slice %arg15[%dma_wait3A_73] : memref<20000xi32, #tpu.memory_space<vmem>> -> memref<10000xi32, #tpu.memory_space<vmem>>
    %dma_wait3A_75 = tpu.memref_slice %arg5[%add3A_11] : memref<1280000xi32, #tpu.memory_space<hbm>> -> memref<10000xi32, #tpu.memory_space<hbm>>
    %dma_wait3A_76 = arith.constant 0 : i32
    %dma_wait3A_77 = tpu.memref_slice %arg15[%dma_wait3A_76] : memref<20000xi32, #tpu.memory_space<vmem>> -> memref<10000xi32, #tpu.memory_space<vmem>>
    %dma_wait3A_78 = tpu.memref_slice %arg5[%add3A_11] : memref<1280000xi32, #tpu.memory_space<hbm>> -> memref<10000xi32, #tpu.memory_space<hbm>>
    tpu.wait_dma2 semaphore(%arg18 : memref<!tpu.dma_semaphore, #tpu.memory_space<semaphore_mem>>) src(%dma_wait3A_78 : memref<10000xi32, #tpu.memory_space<hbm>>) dst(%dma_wait3A_77 : memref<10000xi32, #tpu.memory_space<vmem>>)
    %dma_wait3A_79 = arith.constant 0 : i32
    %dma_wait3A_80 = tpu.memref_slice %arg16[%dma_wait3A_79] : memref<20000xf32, #tpu.memory_space<vmem>> -> memref<10000xf32, #tpu.memory_space<vmem>>
    %dma_wait3A_81 = tpu.memref_slice %arg6[%add3A_4] : memref<640000xf32, #tpu.memory_space<hbm>> -> memref<10000xf32, #tpu.memory_space<hbm>>
    %dma_wait3A_82 = arith.constant 0 : i32
    %dma_wait3A_83 = tpu.memref_slice %arg16[%dma_wait3A_82] : memref<20000xf32, #tpu.memory_space<vmem>> -> memref<10000xf32, #tpu.memory_space<vmem>>
    %dma_wait3A_84 = tpu.memref_slice %arg6[%add3A_4] : memref<640000xf32, #tpu.memory_space<hbm>> -> memref<10000xf32, #tpu.memory_space<hbm>>
    tpu.wait_dma2 semaphore(%arg18 : memref<!tpu.dma_semaphore, #tpu.memory_space<semaphore_mem>>) src(%dma_wait3A_84 : memref<10000xf32, #tpu.memory_space<hbm>>) dst(%dma_wait3A_83 : memref<10000xf32, #tpu.memory_space<vmem>>)
    %parallel_loop3A_85 = arith.constant 0 : i32
    %parallel_loop3A_86 = arith.constant 10000 : i32
    %parallel_loop3A_87 = arith.constant 16 : i32
    %parallel_loop3A_88 = arith.constant -2.016200e-01 : f32
    %parallel_loop3A_89 = arith.constant -4.029000e-01 : f32
    %parallel_loop3A_90 = arith.constant -9.422900e-01 : f32
    %parallel_loop3A_91 = arith.constant -3.199800e+00 : f32
    scf.for %parallel_loop3A_145 = %parallel_loop3A_85 to %parallel_loop3A_86 step %parallel_loop3A_87  : i32 {
      %parallel_loop3A_146 = arith.index_cast %parallel_loop3A_145 : i32 to index
      %parallel_loop3A_147 = tpu.vector_load %arg14[%parallel_loop3A_146] {strides = array<i32>} : memref<20000xi32, #tpu.memory_space<vmem>>, vector<16xi32>,
      %parallel_loop3A_148 = arith.index_cast %parallel_loop3A_145 : i32 to index
      %parallel_loop3A_149 = tpu.vector_load %arg15[%parallel_loop3A_148] {strides = array<i32>} : memref<20000xi32, #tpu.memory_space<vmem>>, vector<16xi32>,
      %parallel_loop3A_150 = arith.index_cast %parallel_loop3A_145 : i32 to index
      %parallel_loop3A_151 = tpu.vector_load %arg16[%parallel_loop3A_150] {strides = array<i32>} : memref<20000xf32, #tpu.memory_space<vmem>>, vector<16xf32>,
      %parallel_loop3A_152 = tpu.vector_load_idx %arg12[%parallel_loop3A_147] : memref<10000xf32, #tpu.memory_space<vmem>>[vector<16xi32>], vector<16xf32>,
      %parallel_loop3A_153 = tpu.vector_load_idx %arg12[%parallel_loop3A_149] : memref<10000xf32, #tpu.memory_space<vmem>>[vector<16xi32>], vector<16xf32>,
      %parallel_loop3A_154 = tpu.vector_load_idx %arg13[%parallel_loop3A_147] : memref<10000xf32, #tpu.memory_space<vmem>>[vector<16xi32>], vector<16xf32>,
      %parallel_loop3A_155 = tpu.vector_load_idx %arg13[%parallel_loop3A_149] : memref<10000xf32, #tpu.memory_space<vmem>>[vector<16xi32>], vector<16xf32>,
      %parallel_loop3A_156 = arith.addf %parallel_loop3A_154, %parallel_loop3A_155 : vector<16xf32>
      %parallel_loop3A_157 = arith.mulf %parallel_loop3A_156, %parallel_loop3A_151 : vector<16xf32>
      %parallel_loop3A_158 = vector.broadcast %parallel_loop3A_88 : f32 to vector<16xf32>
      %parallel_loop3A_159 = arith.mulf %parallel_loop3A_158, %parallel_loop3A_157 : vector<16xf32>
      %parallel_loop3A_160 = math.exp %parallel_loop3A_159 : vector<16xf32>
      %parallel_loop3A_161 = arith.mulf %mul3A_58, %parallel_loop3A_160 : vector<16xf32>
      %parallel_loop3A_162 = vector.broadcast %parallel_loop3A_89 : f32 to vector<16xf32>
      %parallel_loop3A_163 = arith.mulf %parallel_loop3A_162, %parallel_loop3A_157 : vector<16xf32>
      %parallel_loop3A_164 = math.exp %parallel_loop3A_163 : vector<16xf32>
      %parallel_loop3A_165 = arith.mulf %mul3A_61, %parallel_loop3A_164 : vector<16xf32>
      %parallel_loop3A_166 = arith.addf %parallel_loop3A_161, %parallel_loop3A_165 : vector<16xf32>
      %parallel_loop3A_167 = vector.broadcast %parallel_loop3A_90 : f32 to vector<16xf32>
      %parallel_loop3A_168 = arith.mulf %parallel_loop3A_167, %parallel_loop3A_157 : vector<16xf32>
      %parallel_loop3A_169 = math.exp %parallel_loop3A_168 : vector<16xf32>
      %parallel_loop3A_170 = arith.mulf %mul3A_64, %parallel_loop3A_169 : vector<16xf32>
      %parallel_loop3A_171 = arith.addf %parallel_loop3A_166, %parallel_loop3A_170 : vector<16xf32>
      %parallel_loop3A_172 = vector.broadcast %parallel_loop3A_91 : f32 to vector<16xf32>
      %parallel_loop3A_173 = arith.mulf %parallel_loop3A_172, %parallel_loop3A_157 : vector<16xf32>
      %parallel_loop3A_174 = math.exp %parallel_loop3A_173 : vector<16xf32>
      %parallel_loop3A_175 = arith.mulf %mul3A_67, %parallel_loop3A_174 : vector<16xf32>
      %parallel_loop3A_176 = arith.addf %parallel_loop3A_171, %parallel_loop3A_175 : vector<16xf32>
      %parallel_loop3A_177 = arith.mulf %parallel_loop3A_152, %parallel_loop3A_153 : vector<16xf32>
      %parallel_loop3A_178 = arith.divf %parallel_loop3A_177, %parallel_loop3A_151 : vector<16xf32>
      %parallel_loop3A_179 = arith.mulf %parallel_loop3A_178, %parallel_loop3A_176 : vector<16xf32>
      %parallel_loop3A_180 = arith.index_cast %parallel_loop3A_145 : i32 to index
      %parallel_loop3A_181 = tpu.vector_load %arg17[%parallel_loop3A_180] {strides = array<i32>} : memref<20000xf32, #tpu.memory_space<vmem>>, vector<16xf32>,
      tpu.vector_store %arg17[%parallel_loop3A_180], %parallel_loop3A_179 {strides = array<i32>} : memref<20000xf32, #tpu.memory_space<vmem>>, vector<16xf32>,
    } {sc.loop_unroll_factor = 4 : i64, sc.parallel_access}
    %add3A_92 = arith.constant 0 : i32
    %add3A_93 = arith.addi %mul3A_2, %add3A_92 : i32
    %dma_start3A_94 = arith.constant 0 : i32
    %dma_start3A_95 = tpu.memref_slice %arg17[%dma_start3A_94] : memref<20000xf32, #tpu.memory_space<vmem>> -> memref<10000xf32, #tpu.memory_space<vmem>>
    %dma_start3A_96 = tpu.memref_slice %arg7[%add3A_93] : memref<640000xf32, #tpu.memory_space<hbm>> -> memref<10000xf32, #tpu.memory_space<hbm>>
    %dma_start3A_97 = tpu.memref_slice %arg7[%add3A_93] : memref<640000xf32, #tpu.memory_space<hbm>> -> memref<10000xf32, #tpu.memory_space<hbm>>
    %dma_start3A_98 = arith.constant 0 : i32
    %dma_start3A_99 = tpu.memref_slice %arg17[%dma_start3A_98] : memref<20000xf32, #tpu.memory_space<vmem>> -> memref<10000xf32, #tpu.memory_space<vmem>>
    tpu.enqueue_dma source(%dma_start3A_99 : memref<10000xf32, #tpu.memory_space<vmem>>) target(%dma_start3A_97 : memref<10000xf32, #tpu.memory_space<hbm>>) target_semaphore(%arg18 : memref<!tpu.dma_semaphore, #tpu.memory_space<semaphore_mem>>)
    %dma_wait3A_100 = arith.constant 10000 : i32
    %dma_wait3A_101 = tpu.memref_slice %arg14[%dma_wait3A_100] : memref<20000xi32, #tpu.memory_space<vmem>> -> memref<10000xi32, #tpu.memory_space<vmem>>
    %dma_wait3A_102 = tpu.memref_slice %arg5[%add3A_25] : memref<1280000xi32, #tpu.memory_space<hbm>> -> memref<10000xi32, #tpu.memory_space<hbm>>
    %dma_wait3A_103 = arith.constant 10000 : i32
    %dma_wait3A_104 = tpu.memref_slice %arg14[%dma_wait3A_103] : memref<20000xi32, #tpu.memory_space<vmem>> -> memref<10000xi32, #tpu.memory_space<vmem>>
    %dma_wait3A_105 = tpu.memref_slice %arg5[%add3A_25] : memref<1280000xi32, #tpu.memory_space<hbm>> -> memref<10000xi32, #tpu.memory_space<hbm>>
    tpu.wait_dma2 semaphore(%arg18 : memref<!tpu.dma_semaphore, #tpu.memory_space<semaphore_mem>>) src(%dma_wait3A_105 : memref<10000xi32, #tpu.memory_space<hbm>>) dst(%dma_wait3A_104 : memref<10000xi32, #tpu.memory_space<vmem>>)
    %dma_wait3A_106 = arith.constant 10000 : i32
    %dma_wait3A_107 = tpu.memref_slice %arg15[%dma_wait3A_106] : memref<20000xi32, #tpu.memory_space<vmem>> -> memref<10000xi32, #tpu.memory_space<vmem>>
    %dma_wait3A_108 = tpu.memref_slice %arg5[%add3A_33] : memref<1280000xi32, #tpu.memory_space<hbm>> -> memref<10000xi32, #tpu.memory_space<hbm>>
    %dma_wait3A_109 = arith.constant 10000 : i32
    %dma_wait3A_110 = tpu.memref_slice %arg15[%dma_wait3A_109] : memref<20000xi32, #tpu.memory_space<vmem>> -> memref<10000xi32, #tpu.memory_space<vmem>>
    %dma_wait3A_111 = tpu.memref_slice %arg5[%add3A_33] : memref<1280000xi32, #tpu.memory_space<hbm>> -> memref<10000xi32, #tpu.memory_space<hbm>>
    tpu.wait_dma2 semaphore(%arg18 : memref<!tpu.dma_semaphore, #tpu.memory_space<semaphore_mem>>) src(%dma_wait3A_111 : memref<10000xi32, #tpu.memory_space<hbm>>) dst(%dma_wait3A_110 : memref<10000xi32, #tpu.memory_space<vmem>>)
    %dma_wait3A_112 = arith.constant 10000 : i32
    %dma_wait3A_113 = tpu.memref_slice %arg16[%dma_wait3A_112] : memref<20000xf32, #tpu.memory_space<vmem>> -> memref<10000xf32, #tpu.memory_space<vmem>>
    %dma_wait3A_114 = tpu.memref_slice %arg6[%add3A_25] : memref<640000xf32, #tpu.memory_space<hbm>> -> memref<10000xf32, #tpu.memory_space<hbm>>
    %dma_wait3A_115 = arith.constant 10000 : i32
    %dma_wait3A_116 = tpu.memref_slice %arg16[%dma_wait3A_115] : memref<20000xf32, #tpu.memory_space<vmem>> -> memref<10000xf32, #tpu.memory_space<vmem>>
    %dma_wait3A_117 = tpu.memref_slice %arg6[%add3A_25] : memref<640000xf32, #tpu.memory_space<hbm>> -> memref<10000xf32, #tpu.memory_space<hbm>>
    tpu.wait_dma2 semaphore(%arg18 : memref<!tpu.dma_semaphore, #tpu.memory_space<semaphore_mem>>) src(%dma_wait3A_117 : memref<10000xf32, #tpu.memory_space<hbm>>) dst(%dma_wait3A_116 : memref<10000xf32, #tpu.memory_space<vmem>>)
    %parallel_loop3A_118 = arith.constant 10000 : i32
    %parallel_loop3A_119 = arith.constant 20000 : i32
    %parallel_loop3A_120 = arith.constant 16 : i32
    %parallel_loop3A_121 = arith.constant -2.016200e-01 : f32
    %parallel_loop3A_122 = arith.constant -4.029000e-01 : f32
    %parallel_loop3A_123 = arith.constant -9.422900e-01 : f32
    %parallel_loop3A_124 = arith.constant -3.199800e+00 : f32
    scf.for %parallel_loop3A_145 = %parallel_loop3A_118 to %parallel_loop3A_119 step %parallel_loop3A_120  : i32 {
      %parallel_loop3A_146 = arith.index_cast %parallel_loop3A_145 : i32 to index
      %parallel_loop3A_147 = tpu.vector_load %arg14[%parallel_loop3A_146] {strides = array<i32>} : memref<20000xi32, #tpu.memory_space<vmem>>, vector<16xi32>,
      %parallel_loop3A_148 = arith.index_cast %parallel_loop3A_145 : i32 to index
      %parallel_loop3A_149 = tpu.vector_load %arg15[%parallel_loop3A_148] {strides = array<i32>} : memref<20000xi32, #tpu.memory_space<vmem>>, vector<16xi32>,
      %parallel_loop3A_150 = arith.index_cast %parallel_loop3A_145 : i32 to index
      %parallel_loop3A_151 = tpu.vector_load %arg16[%parallel_loop3A_150] {strides = array<i32>} : memref<20000xf32, #tpu.memory_space<vmem>>, vector<16xf32>,
      %parallel_loop3A_152 = tpu.vector_load_idx %arg12[%parallel_loop3A_147] : memref<10000xf32, #tpu.memory_space<vmem>>[vector<16xi32>], vector<16xf32>,
      %parallel_loop3A_153 = tpu.vector_load_idx %arg12[%parallel_loop3A_149] : memref<10000xf32, #tpu.memory_space<vmem>>[vector<16xi32>], vector<16xf32>,
      %parallel_loop3A_154 = tpu.vector_load_idx %arg13[%parallel_loop3A_147] : memref<10000xf32, #tpu.memory_space<vmem>>[vector<16xi32>], vector<16xf32>,
      %parallel_loop3A_155 = tpu.vector_load_idx %arg13[%parallel_loop3A_149] : memref<10000xf32, #tpu.memory_space<vmem>>[vector<16xi32>], vector<16xf32>,
      %parallel_loop3A_156 = arith.addf %parallel_loop3A_154, %parallel_loop3A_155 : vector<16xf32>
      %parallel_loop3A_157 = arith.mulf %parallel_loop3A_156, %parallel_loop3A_151 : vector<16xf32>
      %parallel_loop3A_158 = vector.broadcast %parallel_loop3A_121 : f32 to vector<16xf32>
      %parallel_loop3A_159 = arith.mulf %parallel_loop3A_158, %parallel_loop3A_157 : vector<16xf32>
      %parallel_loop3A_160 = math.exp %parallel_loop3A_159 : vector<16xf32>
      %parallel_loop3A_161 = arith.mulf %mul3A_58, %parallel_loop3A_160 : vector<16xf32>
      %parallel_loop3A_162 = vector.broadcast %parallel_loop3A_122 : f32 to vector<16xf32>
      %parallel_loop3A_163 = arith.mulf %parallel_loop3A_162, %parallel_loop3A_157 : vector<16xf32>
      %parallel_loop3A_164 = math.exp %parallel_loop3A_163 : vector<16xf32>
      %parallel_loop3A_165 = arith.mulf %mul3A_61, %parallel_loop3A_164 : vector<16xf32>
      %parallel_loop3A_166 = arith.addf %parallel_loop3A_161, %parallel_loop3A_165 : vector<16xf32>
      %parallel_loop3A_167 = vector.broadcast %parallel_loop3A_123 : f32 to vector<16xf32>
      %parallel_loop3A_168 = arith.mulf %parallel_loop3A_167, %parallel_loop3A_157 : vector<16xf32>
      %parallel_loop3A_169 = math.exp %parallel_loop3A_168 : vector<16xf32>
      %parallel_loop3A_170 = arith.mulf %mul3A_64, %parallel_loop3A_169 : vector<16xf32>
      %parallel_loop3A_171 = arith.addf %parallel_loop3A_166, %parallel_loop3A_170 : vector<16xf32>
      %parallel_loop3A_172 = vector.broadcast %parallel_loop3A_124 : f32 to vector<16xf32>
      %parallel_loop3A_173 = arith.mulf %parallel_loop3A_172, %parallel_loop3A_157 : vector<16xf32>
      %parallel_loop3A_174 = math.exp %parallel_loop3A_173 : vector<16xf32>
      %parallel_loop3A_175 = arith.mulf %mul3A_67, %parallel_loop3A_174 : vector<16xf32>
      %parallel_loop3A_176 = arith.addf %parallel_loop3A_171, %parallel_loop3A_175 : vector<16xf32>
      %parallel_loop3A_177 = arith.mulf %parallel_loop3A_152, %parallel_loop3A_153 : vector<16xf32>
      %parallel_loop3A_178 = arith.divf %parallel_loop3A_177, %parallel_loop3A_151 : vector<16xf32>
      %parallel_loop3A_179 = arith.mulf %parallel_loop3A_178, %parallel_loop3A_176 : vector<16xf32>
      %parallel_loop3A_180 = arith.index_cast %parallel_loop3A_145 : i32 to index
      %parallel_loop3A_181 = tpu.vector_load %arg17[%parallel_loop3A_180] {strides = array<i32>} : memref<20000xf32, #tpu.memory_space<vmem>>, vector<16xf32>,
      tpu.vector_store %arg17[%parallel_loop3A_180], %parallel_loop3A_179 {strides = array<i32>} : memref<20000xf32, #tpu.memory_space<vmem>>, vector<16xf32>,
    } {sc.loop_unroll_factor = 4 : i64, sc.parallel_access}
    %add3A_125 = arith.constant 10000 : i32
    %add3A_126 = arith.addi %mul3A_2, %add3A_125 : i32
    %dma_start3A_127 = arith.constant 10000 : i32
    %dma_start3A_128 = tpu.memref_slice %arg17[%dma_start3A_127] : memref<20000xf32, #tpu.memory_space<vmem>> -> memref<10000xf32, #tpu.memory_space<vmem>>
    %dma_start3A_129 = tpu.memref_slice %arg7[%add3A_126] : memref<640000xf32, #tpu.memory_space<hbm>> -> memref<10000xf32, #tpu.memory_space<hbm>>
    %dma_start3A_130 = tpu.memref_slice %arg7[%add3A_126] : memref<640000xf32, #tpu.memory_space<hbm>> -> memref<10000xf32, #tpu.memory_space<hbm>>
    %dma_start3A_131 = arith.constant 10000 : i32
    %dma_start3A_132 = tpu.memref_slice %arg17[%dma_start3A_131] : memref<20000xf32, #tpu.memory_space<vmem>> -> memref<10000xf32, #tpu.memory_space<vmem>>
    tpu.enqueue_dma source(%dma_start3A_132 : memref<10000xf32, #tpu.memory_space<vmem>>) target(%dma_start3A_130 : memref<10000xf32, #tpu.memory_space<hbm>>) target_semaphore(%arg18 : memref<!tpu.dma_semaphore, #tpu.memory_space<semaphore_mem>>)
    %dma_wait3A_133 = arith.constant 0 : i32
    %dma_wait3A_134 = tpu.memref_slice %arg17[%dma_wait3A_133] : memref<20000xf32, #tpu.memory_space<vmem>> -> memref<10000xf32, #tpu.memory_space<vmem>>
    %dma_wait3A_135 = tpu.memref_slice %arg7[%add3A_93] : memref<640000xf32, #tpu.memory_space<hbm>> -> memref<10000xf32, #tpu.memory_space<hbm>>
    %dma_wait3A_136 = tpu.memref_slice %arg7[%add3A_93] : memref<640000xf32, #tpu.memory_space<hbm>> -> memref<10000xf32, #tpu.memory_space<hbm>>
    %dma_wait3A_137 = arith.constant 0 : i32
    %dma_wait3A_138 = tpu.memref_slice %arg17[%dma_wait3A_137] : memref<20000xf32, #tpu.memory_space<vmem>> -> memref<10000xf32, #tpu.memory_space<vmem>>
    tpu.wait_dma2 semaphore(%arg18 : memref<!tpu.dma_semaphore, #tpu.memory_space<semaphore_mem>>) src(%dma_wait3A_138 : memref<10000xf32, #tpu.memory_space<vmem>>) dst(%dma_wait3A_136 : memref<10000xf32, #tpu.memory_space<hbm>>)
    %dma_wait3A_139 = arith.constant 10000 : i32
    %dma_wait3A_140 = tpu.memref_slice %arg17[%dma_wait3A_139] : memref<20000xf32, #tpu.memory_space<vmem>> -> memref<10000xf32, #tpu.memory_space<vmem>>
    %dma_wait3A_141 = tpu.memref_slice %arg7[%add3A_126] : memref<640000xf32, #tpu.memory_space<hbm>> -> memref<10000xf32, #tpu.memory_space<hbm>>
    %dma_wait3A_142 = tpu.memref_slice %arg7[%add3A_126] : memref<640000xf32, #tpu.memory_space<hbm>> -> memref<10000xf32, #tpu.memory_space<hbm>>
    %dma_wait3A_143 = arith.constant 10000 : i32
    %dma_wait3A_144 = tpu.memref_slice %arg17[%dma_wait3A_143] : memref<20000xf32, #tpu.memory_space<vmem>> -> memref<10000xf32, #tpu.memory_space<vmem>>
    tpu.wait_dma2 semaphore(%arg18 : memref<!tpu.dma_semaphore, #tpu.memory_space<semaphore_mem>>) src(%dma_wait3A_144 : memref<10000xf32, #tpu.memory_space<vmem>>) dst(%dma_wait3A_142 : memref<10000xf32, #tpu.memory_space<hbm>>)
    return
  }
}

</mosaic_0001>

<sc_bundles>
// kernel: kernel.3.cloned.1.call-start
scs
__scs_entry_jumppad:
0x0: {  	(pc) =	sbr.rel $0x88, $3  }
0x1: {  	(tag) =	ssettag $0x0;
	lr =	simm.s32 $0x1  }
0x2: {  	[smem:$0x3F9C] =	sst lr;
	_ =	strace $0xD0000000  }
0x3: {  	_ = 	snop  }
0x4: {  	_ = 	snop  }
0x5: {  	_ = 	snop  }
0x6: {  	_ = 	snop  }
0x7: {  	_ = 	snop  }
__scs_overlays_trampoline_lowered:
0x8: {  	[smem:$0x3FAB] =	sst s0  }
0x9: {  	[smem:$0x3FAC] =	sst s1  }
0xa: {  	[smem:$0x3FAD] =	sst s2  }
0xb: {  	[smem:$0x3FAE] =	sst s3  }
0xc: {  	[smem:$0x3FAF] =	sst s4  }
0xd: {  	[smem:$0x3FB0] =	sst s5  }
0xe: {  	[smem:$0x3FB1] =	sst s6  }
0xf: {  	[smem:$0x3FB2] =	sst s7  }
0x10: {  	[smem:$0x3FB3] =	sst s8  }
0x11: {  	[smem:$0x3FB4] =	sst s9;
	s0 =	simm.s32 @!p0 $0x0  }
0x12: {  	s1 =	sld [smem:$0x3F9A];
	s0 =	simm.s32 @p0 $0x1  }
0x13: {  	[smem:$0x3FB5] =	sst s0;
	s0 =	simm.s32 @!p1 $0x0  }
0x14: {  	s2 =	sld [smem:$0x3F99];
	s0 =	simm.s32 @p1 $0x1  }
0x15: {  	[smem:$0x3FB6] =	sst s0;
	s0 =	simm.s32 @!p2 $0x0  }
0x16: {  	s3 =	sld [smem:$0x3FDB];
	s0 =	simm.s32 @p2 $0x1  }
0x17: {  	s4 =	simm.s32 $0x1BF5;
	[smem:$0x3FB8] =	sst s0  }
0x18: {  	s0 =	sld [smem:$0x3F9B];
	_ =	swait.ge [sflag:s4], $0x0  }
0x19: {  	s7 =	sld [smem:$0x3F9C]  }
0x1a: {  	s8 =	sadd.s32 $0xFFFFE003, lr  }
0x1b: {  	s9 =	sadd.s32 $0xFFFFFEF7, lr;
	s5 =	simm.s32 $0xFFFFFFFF;
	p2 =	slt.u32 s8, $0xFFFFF086  }
0x1c: {  	p1 =	slt.u32 s9, $0xF7A;
	s5 =	simm.s32 @!p2 $0x0  }
0x1d: {  	s5 =	simm.s32 @p1 $0x1;
	p0 =	seq.s32 s7, s2  }
0x1e: {  	s7 =	smul.u32 @!p0 $0xF7A, s2;
	p2 =	seq.s32 @!p0 s5, $0x0  }
0x1f: {  	s9 =	smul.u32 $0xF7A, s1;
	s8 =	simm.s32 @!p0 $0x1BF5;
	p2 =	por !p2, p0  }
0x20: {  	[sflag:s8] =	ssyncset.s32 @!p0 $0xFFFFF086;
	s6 =	sadd.s32 @!p0 s3, s7;
	s7 =	simm.s32 @!p0 $0x108  }
0x21: {  	s3 =	sadd.s32 s3, s9;
	s6 =	sadd.s32 @!p0 $0x88, s6;
	s7 =	simm.s32 @p2 $0x1082  }
0x22: {  	[simem:s7], [sflag:s8] =	dma.local @!p0 [hbm:s6], $0xF7A  }
0x23: {  	s9 =	sor.u32 $0xD0000000, s2;
	s6 =	simm.s32 $0x108;
	_ =	swait.ge @!p0 [sflag:s8], $0x0  }
0x24: {  	s3 =	sadd.s32 $0x88, s3;
	s6 =	simm.s32 @!p1 $0x1082;
	[sflag:s4] =	ssyncset.s32 $0xFFFFF086  }
0x25: {  	[simem:s6], [sflag:s4] =	dma.local [hbm:s3], $0xF7A  }
0x26: {  	[smem:$0x3F9C] =	sst s1;
	(tag) =	ssettag s2;
	_ =	strace s9  }
0x27: {  	s1 =	sld [smem:$0x3FAC]  }
0x28: {  	s2 =	sld [smem:$0x3FAD]  }
0x29: {  	s4 =	sld [smem:$0x3FAF]  }
0x2a: {  	p0 =	seq.s32 s5, $0x0;
	s5 =	sld [smem:$0x3FB0]  }
0x2b: {  	s6 =	sld [smem:$0x3FB1]  }
0x2c: {  	s7 =	sld [smem:$0x3FB2]  }
0x2d: {  	s3 =	simm.s32 $0x108;
	s8 =	sld [smem:$0x3FB3]  }
0x2e: {  	s3 =	simm.s32 @!p0 $0x1082;
	s9 =	sld [smem:$0x3FB4]  }
0x2f: {  	lr =	sadd.s32 s0, s3;
	s0 =	sld [smem:$0x3FAB]  }
0x30: {  	s3 =	sld [smem:$0x3FAE]  }
0x31: {  	[smem:$0x3FB7] =	sst s10  }
0x32: {  	s10 =	sld [smem:$0x3FB5];
	_ =	sdelay $0x3  }
0x33: {  	p0 =	seq.s32 s10, $0x1;
	s10 =	sld [smem:$0x3FB7];
	_ =	sdelay $0x3  }
0x34: {  	[smem:$0x3FB7] =	sst s10  }
0x35: {  	s10 =	sld [smem:$0x3FB6];
	_ =	sdelay $0x3  }
0x36: {  	p1 =	seq.s32 s10, $0x1;
	s10 =	sld [smem:$0x3FB7];
	_ =	sdelay $0x3  }
0x37: {  	[smem:$0x3FB7] =	sst s10  }
0x38: {  	s10 =	sld [smem:$0x3FB8]  }
0x39: {  	_ = 	snop;
	(pc) =	sbr.ind lr, $3  }
0x3a: {  	_ = 	snop  }
0x3b: {  	_ = 	snop  }
0x3c: {  	p2 =	seq.s32 s10, $0x1;
	s10 =	sld [smem:$0x3FB7]  }
0x3d: {  	_ =	shalt  }
0x3e: {  	_ =	shalt  }
0x3f: {  	_ =	shalt  }
0x40: {  	_ =	shalt  }
0x41: {  	_ =	shalt  }
0x42: {  	_ =	shalt  }
0x43: {  	_ =	shalt  }
0x44: {  	_ =	shalt  }
0x45: {  	_ =	shalt  }
0x46: {  	_ =	shalt  }
0x47: {  	_ =	shalt  }
0x48: {  	_ =	shalt  }
0x49: {  	_ =	shalt  }
0x4a: {  	_ =	shalt  }
0x4b: {  	_ =	shalt  }
0x4c: {  	_ =	shalt  }
0x4d: {  	_ =	shalt  }
0x4e: {  	_ =	shalt  }
0x4f: {  	_ =	shalt  }
0x50: {  	_ =	shalt  }
0x51: {  	_ =	shalt  }
0x52: {  	_ =	shalt  }
0x53: {  	_ =	shalt  }
0x54: {  	_ =	shalt  }
0x55: {  	_ =	shalt  }
0x56: {  	_ =	shalt  }
0x57: {  	_ =	shalt  }
0x58: {  	_ =	shalt  }
0x59: {  	_ =	shalt  }
0x5a: {  	_ =	shalt  }
0x5b: {  	_ =	shalt  }
0x5c: {  	_ =	shalt  }
0x5d: {  	_ =	shalt  }
0x5e: {  	_ =	shalt  }
0x5f: {  	_ =	shalt  }
0x60: {  	_ =	shalt  }
0x61: {  	_ =	shalt  }
0x62: {  	_ =	shalt  }
0x63: {  	_ =	shalt  }
0x64: {  	_ =	shalt  }
0x65: {  	_ =	shalt  }
0x66: {  	_ =	shalt  }
0x67: {  	_ =	shalt  }
0x68: {  	_ =	shalt  }
0x69: {  	_ =	shalt  }
0x6a: {  	_ =	shalt  }
0x6b: {  	_ =	shalt  }
0x6c: {  	_ =	shalt  }
0x6d: {  	_ =	shalt  }
0x6e: {  	_ =	shalt  }
0x6f: {  	_ =	shalt  }
0x70: {  	_ =	shalt  }
0x71: {  	_ =	shalt  }
0x72: {  	_ =	shalt  }
0x73: {  	_ =	shalt  }
0x74: {  	_ =	shalt  }
0x75: {  	_ =	shalt  }
0x76: {  	_ =	shalt  }
0x77: {  	_ =	shalt  }
0x78: {  	_ =	shalt  }
0x79: {  	_ =	shalt  }
0x7a: {  	_ =	shalt  }
0x7b: {  	_ =	shalt  }
0x7c: {  	_ =	shalt  }
0x7d: {  	_ =	shalt  }
0x7e: {  	_ =	shalt  }
0x7f: {  	_ =	shalt  }
0x80: {  	_ =	shalt  }
0x81: {  	_ =	shalt  }
0x82: {  	_ =	shalt  }
0x83: {  	_ =	shalt  }
0x84: {  	_ =	shalt  }
0x85: {  	_ =	shalt  }
0x86: {  	_ =	shalt  }
0x87: {  	_ =	shalt  }
.Lfunc_end0:
.L_simem_size_0:
called_computation_lowered:
.L_overlay_start_0:
0x88: {  	s2 =	sld [smem:$0x3FD9]  }
0x89: {  	s3 =	sld [smem:$0x3FFE];
	_ =	sdelay $0x1  }
0x8a: {  	s1 =	srdreg.scid  }
0x8b: {  	s0 =	sand.u32 $0x1, s1  }
0x8c: {  	s17 =	sshll.u32 s0, $0xA;
	s2 =	sadd.s32 s3, s2  }
0x8d: {  	s2 =	sadd.s32 s2, s17  }
0x8e: {  	[smem:$0x3FC3] =	sst s2  }
0x8f: {  	_ = 	snop  }
0x90: {  	s2 =	sld [smem:$0x3FC8]  }
0x91: {  	s18 =	sld [smem:$0x3FC7]  }
0x92: {  	s4 =	sld [smem:$0x3FD0];
	(tm) =	ssettm $0x1  }
0x93: {  	s5 =	sld [smem:$0x3FFB];
	_ =	sdelay $0x3  }
0x94: {  	_ =	strace s5  }
0x95: {  	s5 =	sld [smem:$0x3FFC];
	_ =	sdelay $0x3  }
0x96: {  	_ =	strace s5  }
0x97: {  	s5 =	sld [smem:$0x3FFD];
	_ =	sdelay $0x3  }
0x98: {  	_ =	strace s5  }
0x99: {  	_ =	strace $0x8FFFFFFF  }
0x9a: {  	s19 =	sld [smem:$0x3FDB];
	_ =	sdelay $0x1  }
0x9b: {  	s6 =	simm.s32 $_scs_section_size  }
0x9c: {  	s7 =	simm.s32 $_size__tile_overlayer_lowered;
	s8 =	simm.s32 $_tile_overlayer_lowered  }
0x9d: {  	s22 =	simm.s32 $0x1BFF;
	s21 =	sshll.u32 s8, $0x1;
	s5 =	sadd.s32 s6, s19  }
0x9e: {  	s9 =	simm.s32 $0x0;
	s20 =	sshll.u32 s7, $0x1;
	s7 =	sadd.s32 s21, s5  }
0x9f: {  	[timem:s9], [sflag:s22] =	dma.local [hbm:s7], s20  }
0xa0: {  	_ =	swait.ge [sflag:s22], s20  }
0xa1: {  	s6 =	ssub.s32 $0x0, s20;
	[sflag:s22] =	ssyncset.done $0x0  }
0xa2: {  	[sflag:s22] =	ssyncadd.s32 s6;
	_ =	sdelay $0x1  }
0xa3: {  	s23 =	simm.s32 $0x1B8B  }
0xa4: {  	_ =	swait.ge [sflag:s23], $0x1  }
0xa5: {  	[sflag:s23] =	ssyncset.done $0x0  }
0xa6: {  	s25 =	simm.s32 $0x1B8E;
	s24 =	sld [smem:$0x3FFE];
	[sflag:s23] =	ssyncadd.s32 $0xFFFFFFFF  }
0xa7: {  	s26 =	simm.s32 $execute0_lowered;
	[smem:$0x3FD2] =	sst s25  }
0xa8: {  	s7 =	sshll.u32 s26, $0x1;
	_ =	strace $0x80000046;
	[dreg:$0x1] =	wrdreg $0xFFFFFFFF  }
0xa9: {  	s28 =	simm.s32 $_size_execute0_lowered;
	s5 =	sadd.s32 s5, s7;
	[dreg:$0x0] =	wrdreg $0x0  }
0xaa: {  	s7 =	sshll.u32 s28, $0x1;
	[dreg:$0x2] =	wrdreg s5  }
0xab: {  	[dreg:$0x3] =	wrdreg s7  }
0xac: {  	[dreg:$0x4] =	wrdreg $0xC0  }
0xad: {  	_ =	task [dreg:s9], $0x5FFFF  }
0xae: {  	[dreg:$0x1] =	wrdreg $0xFFFFFFFF  }
0xaf: {  	[dreg:$0x0] =	wrdreg $0x60  }
0xb0: {  	[dreg:$0x2] =	wrdreg s18  }
0xb1: {  	[dreg:$0x3] =	wrdreg s24  }
0xb2: {  	[dreg:$0x4] =	wrdreg s2  }
0xb3: {  	[dreg:$0x5] =	wrdreg s4  }
0xb4: {  	[dreg:$0x6] =	wrdreg $0x9  }
0xb5: {  	_ =	task.clear_ibuf [dreg:s9], $0x7FFFF;
	_ =	strace $0x90000046  }
0xb6: {  	s29 =	simm.s32 $0x9;
	_ =	strace $0x80000048  }
0xb7: {  	_ =	swait.ge [sflag:s29], $0x1  }
0xb8: {  	[sflag:s29] =	ssyncadd.s32 $0xFFFFFFFF  }
0xb9: {  	_ =	strace $0x90000048  }
0xba: {  	_ =	sfence  }
0xbb: {  	s30 =	sld [smem:$0x0];
	_ =	sdelay $0x2  }
0xbc: {  	s31 =	sshll.u32 s1, $0xD;
	s1 =	sshrl.u32 s1, $0x2  }
0xbd: {  	s3 =	sand.u32 $0x4000, s31;
	s1 =	sadd.s32 s1, s30  }
0xbe: {  	s0 =	sor.u32 s3, s0;
	s1 =	sshll.u32 s1, $0x11  }
0xbf: {  	s0 =	sor.u32 s1, s0  }
0xc0: {  	s0 =	sadd.s32 $0x8F2B, s0  }
0xc1: {  	[sflag:s0] =	ssyncadd.remote.s32 $0x1  }
0xc2: {  	_ =	sfence.sel $0xFFFF  }
0xc3: {  	[dreg:$0x0] =	wrdreg $0xFFFFFFFF;
	(pc) =	sbr.abs _section_cstart, $3  }
0xc4: {  	[dreg:$0x1] =	wrdreg $0xFFFFFFFF  }
0xc5: {  	_ =	task.clear_ibuf [dreg:s9], $0x2FFFF;
	_ =	strace $0x9FFFFFFF  }
0xc6: {  	(tm) =	ssettm $0x7FFFFFFF  }
0xc7: {  	_ =	shalt  }
tec
execute0_lowered:
.L_overlay_start_1:
0x0: {  	(tag) =	ssettag $0x1  }
0x1: {  	s0 =	rddreg [dreg:$0x1]  }
0x2: {  	s1 =	rddreg [dreg:$0x2]  }
0x3: {  	s2 =	rddreg [dreg:$0x3]  }
0x4: {  	s4 =	srdreg.scid;
	s5 =	stileid.u32  }
0x5: {  	s3 =	simm.s32 $0x0;
	s19 =	simm.s32 $0xED90;
	s20 =	simm.s32 $0x13C10  }
0x6: {  	s21 =	simm.s32 $0x2;
	s22 =	simm.s32 $0x2780;
	s23 =	simm.s32 $0x2880  }
0x7: {  	s24 =	simm.s32 $0x2800;
	s25 =	simm.s32 $0x1;
	s28 =	simm.s32 $0x5080  }
0x8: {  	s29 =	simm.s32 $0x16380;
	s30 =	simm.s32 $0x18A90;
	s31 =	simm.s32 $0x0  }
0x9: {  	s6 =	sand.u32 $0x1, s4;
	s26 =	sshll.u32 s5, $0x1;
	[smem:$0x7FF] =	sst s3  }
0xa: {  	s5 =	sadd.s32 $0x27A00, s0;
	s4 =	sor.u32 s6, s26;
	s6 =	ssub.s32 $0x2, s6  }
0xb: {  	_ =	strace $0x80000047;
	s7 =	smul.u32 $0x4E20, s4;
	s8 =	sshrl.u32 s6, $0x1  }
0xc: {  	s26 =	simm.s32 $0x2900;
	s4 =	sadd.s32 $0x27800, s0;
	s14 =	ssub.s32 s6, s8  }
0xd: {  	s0 =	sadd.s32 $0x600, s0;
	s12 =	sshrl.u32 s7, $0x3;
	s14 =	smax.u32 s14, $0x1  }
0xe: {  	s6 =	sadd.s32 s0, s12;
	s13 =	sadd.s32 $0x4E2, s12;
	s8 =	sadd.s32 s1, s12  }
0xf: {  	s12 =	sadd.s32 s2, s12;
	s7 =	sadd.s32 $0x13880, s6;
	s9 =	sadd.s32 s0, s13  }
0x10: {  	s10 =	sadd.s32 $0x13D62, s6;
	s11 =	sadd.s32 s1, s13;
	s13 =	sadd.s32 s2, s13  }
.LBB2_1:
0x11: {  	s0 =	simm.s32 $0x7800  }
0x12: {  	[tilespmem:s0], [sflag:$0x1] =	stream.linear.gather [hbm4b:s6+s3], $0x2710, $0x38;
	[tilespmem:$0x1B200] =	vst v63  }
0x13: {  	s18 =	simm.s32 $0xC680  }
0x14: {  	[tilespmem:s18], [sflag:$0x1] =	stream.linear.gather [hbm4b:s7+s3], $0x2710, $0x38;
	[tilespmem:$0x1B200] =	vst v63  }
0x15: {  	s1 =	simm.s32 $0x11500  }
0x16: {  	[tilespmem:s1], [sflag:$0x1] =	stream.linear.gather [hbm4b:s8+s3], $0x2710, $0x38;
	[tilespmem:$0x1B200] =	vst v63  }
0x17: {  	s2 =	simm.s32 $0x9F10  }
0x18: {  	[tilespmem:s2], [sflag:$0x1] =	stream.linear.gather [hbm4b:s9+s3], $0x2710, $0x38;
	[tilespmem:$0x1B200] =	vst v63  }
0x19: {  	_ = 	snop  }
0x1a: {  	[tilespmem:s19], [sflag:$0x1] =	stream.linear.gather [hbm4b:s10+s3], $0x2710, $0x38;
	[tilespmem:$0x1B200] =	vst v63  }
0x1b: {  	_ = 	snop  }
0x1c: {  	[tilespmem:s20], [sflag:$0x1] =	stream.linear.gather [hbm4b:s11+s3], $0x2710, $0x38;
	[tilespmem:$0x1B200] =	vst v63  }
0x1d: {  	s15 =	rddreg [dreg:$0x0]  }
0x1e: {  	[tilespmem:s3], [sflag:$0x2] =	stream.linear.gather [hbm4b:s15+s3], $0x2780, $0x38;
	[tilespmem:$0x1B200] =	vst v63  }
0x1f: {  	_ =	swait.ge [sflag:s21], $0x2780  }
0x20: {  	[sflag:s21] =	ssyncset.done $0x0  }
0x21: {  	[sflag:s21] =	ssyncadd.s32 $0xFFFFD880  }
0x22: {  	[tilespmem:s22], [sflag:$0x2] =	stream.linear.gather [hbm4b:s4+s3], $0x80, $0x38;
	[tilespmem:$0x1B200] =	vst v63  }
0x23: {  	_ =	swait.ge [sflag:s21], $0x80  }
0x24: {  	[sflag:s21] =	ssyncset.done $0x0  }
0x25: {  	[sflag:s21] =	ssyncadd.s32 $0xFFFFFF80  }
0x26: {  	[tilespmem:s23], [sflag:$0x2] =	stream.linear.gather [hbm4b:s5+s3], $0x80, $0x38;
	[tilespmem:$0x1B200] =	vst v63  }
0x27: {  	_ =	swait.ge [sflag:s21], $0x80  }
0x28: {  	[sflag:s21] =	ssyncset.done $0x0  }
0x29: {  	s16 =	simm.s32 $0x2790;
	[sflag:s21] =	ssyncadd.s32 $0xFFFFFF80  }
0x2a: {  	v4 =	vld [tilespmem:s16+$0x0];
	_ =	sdelay $0x1  }
0x2b: {  	v5 =	vld [tilespmem:s16+$0xFFFFFFF0];
	_ =	sdelay $0x2  }
0x2c: {  	v0 =	vshra.s32 v4, $0x17  }
0x2d: {  	v0 =	vadd.s32 $0xFFFFFF81, v0  }
0x2e: {  	v1 =	vshra.s32 v5, $0x17;
	v0 =	vcvt.s32.f32 v0  }
0x2f: {  	v1 =	vadd.s32 $0xFFFFFF81, v1  }
0x30: {  	v1 =	vcvt.s32.f32 v1;
	v0 =	vmul.f32 $6.931471820e-01, v0;
	_ =	sdelay $0x1  }
0x31: {  	v1 =	vmul.f32 $6.931471820e-01, v1;
	v2 =	vsub.f32 $0.0e+00, v0;
	_ =	sdelay $0x1  }
0x32: {  	v3 =	vsub.f32 $0.0e+00, v1;
	v2 =	vmul.f32 $1.442695020e+00, v2;
	_ =	sdelay $0x1  }
0x33: {  	v3 =	vmul.f32 $1.442695020e+00, v3;
	(erf) = vpow2.f32 v2;
	_ =	sdelay $0x1  }
0x34: {  	(erf) = vpow2.f32 v3;
	_ =	sdelay $0x6  }
0x35: {  	v2 =	vpop (erf)  }
0x36: {  	v2 =	vmul.f32 v2, v4  }
0x37: {  	v3 =	vpop (erf)  }
0x38: {  	v3 =	vmul.f32 v3, v5;
	v2 =	vadd.f32 $-1.000000000e+00, v2;
	_ =	sdelay $0x1  }
0x39: {  	v3 =	vadd.f32 $-1.000000000e+00, v3;
	v2 =	vadd.f32 v2, v0;
	_ =	sdelay $0x1  }
0x3a: {  	v3 =	vadd.f32 v3, v1;
	v0 =	vsub.f32 $0.0e+00, v2;
	_ =	sdelay $0x1  }
0x3b: {  	v1 =	vsub.f32 $0.0e+00, v3;
	v0 =	vmul.f32 $1.442695020e+00, v0;
	_ =	sdelay $0x1  }
0x3c: {  	s17 =	simm.s32 $0x27B0;
	v1 =	vmul.f32 $1.442695020e+00, v1;
	(erf) = vpow2.f32 v0  }
0x3d: {  	v0 =	vld [tilespmem:s17+$0x0]  }
0x3e: {  	(erf) = vpow2.f32 v1;
	v1 =	vld [tilespmem:s17+$0xFFFFFFF0];
	_ =	sdelay $0x3  }
0x3f: {  	v6 =	vshra.s32 v0, $0x17  }
0x40: {  	v7 =	vshra.s32 v1, $0x17;
	v6 =	vadd.s32 $0xFFFFFF81, v6  }
0x41: {  	v7 =	vadd.s32 $0xFFFFFF81, v7;
	v6 =	vcvt.s32.f32 v6  }
0x42: {  	v7 =	vcvt.s32.f32 v7;
	v8 =	vpop (erf)  }
0x43: {  	v6 =	vmul.f32 $6.931471820e-01, v6;
	v8 =	vmul.f32 v8, v4  }
0x44: {  	v9 =	vpop (erf);
	v7 =	vmul.f32 $6.931471820e-01, v7  }
0x45: {  	v9 =	vmul.f32 v9, v5;
	v10 =	vsub.f32 $0.0e+00, v6;
	v8 =	vadd.f32 $-1.000000000e+00, v8  }
0x46: {  	v11 =	vsub.f32 $0.0e+00, v7  }
0x47: {  	v9 =	vadd.f32 $-1.000000000e+00, v9;
	v10 =	vmul.f32 $1.442695020e+00, v10;
	v2 =	vadd.f32 v8, v2  }
0x48: {  	v8 =	vmul.f32 $1.442695020e+00, v11  }
0x49: {  	v3 =	vadd.f32 v9, v3;
	(erf) = vpow2.f32 v10;
	v9 =	vsub.f32 $0.0e+00, v2  }
0x4a: {  	(erf) = vpow2.f32 v8  }
0x4b: {  	v8 =	vsub.f32 $0.0e+00, v3;
	v9 =	vmul.f32 $1.442695020e+00, v9;
	_ =	sdelay $0x1  }
0x4c: {  	v8 =	vmul.f32 $1.442695020e+00, v8;
	(erf) = vpow2.f32 v9;
	_ =	sdelay $0x1  }
0x4d: {  	(erf) = vpow2.f32 v8;
	_ =	sdelay $0x2  }
0x4e: {  	v8 =	vpop (erf)  }
0x4f: {  	v8 =	vmul.f32 v8, v0;
	v9 =	vpop (erf)  }
0x50: {  	v9 =	vmul.f32 v9, v1  }
0x51: {  	v8 =	vadd.f32 $-1.000000000e+00, v8  }
0x52: {  	v9 =	vadd.f32 $-1.000000000e+00, v9;
	v10 =	vpop (erf)  }
0x53: {  	v6 =	vadd.f32 v8, v6;
	v8 =	vmul.f32 v10, v4  }
0x54: {  	v10 =	vpop (erf);
	v7 =	vadd.f32 v9, v7  }
0x55: {  	v9 =	vmul.f32 v10, v5;
	v10 =	vsub.f32 $0.0e+00, v6;
	v8 =	vadd.f32 $-1.000000000e+00, v8  }
0x56: {  	v11 =	vsub.f32 $0.0e+00, v7  }
0x57: {  	v9 =	vadd.f32 $-1.000000000e+00, v9;
	v10 =	vmul.f32 $1.442695020e+00, v10;
	v8 =	vadd.f32 v8, v2  }
0x58: {  	v11 =	vmul.f32 $1.442695020e+00, v11  }
0x59: {  	v9 =	vadd.f32 v9, v3;
	(erf) = vpow2.f32 v10;
	v10 =	vsub.f32 $0.0e+00, v8  }
0x5a: {  	s18 =	simm.s32 $0x27D0  }
0x5b: {  	v2 =	vld [tilespmem:s18+$0x0];
	(erf) = vpow2.f32 v11;
	v11 =	vsub.f32 $0.0e+00, v9;
	v10 =	vmul.f32 $1.442695020e+00, v10  }
0x5c: {  	v3 =	vld [tilespmem:s18+$0xFFFFFFF0]  }
0x5d: {  	v11 =	vmul.f32 $1.442695020e+00, v11;
	(erf) = vpow2.f32 v10;
	_ =	sdelay $0x1  }
0x5e: {  	(erf) = vpow2.f32 v11  }
0x5f: {  	v10 =	vshra.s32 v2, $0x17  }
0x60: {  	v11 =	vshra.s32 v3, $0x17;
	v10 =	vadd.s32 $0xFFFFFF81, v10  }
0x61: {  	v11 =	vadd.s32 $0xFFFFFF81, v11;
	v10 =	vcvt.s32.f32 v10  }
0x62: {  	v11 =	vcvt.s32.f32 v11;
	v12 =	vpop (erf)  }
0x63: {  	v10 =	vmul.f32 $6.931471820e-01, v10;
	v12 =	vmul.f32 v12, v0  }
0x64: {  	v13 =	vpop (erf);
	v11 =	vmul.f32 $6.931471820e-01, v11  }
0x65: {  	v13 =	vmul.f32 v13, v1;
	v14 =	vsub.f32 $0.0e+00, v10;
	v12 =	vadd.f32 $-1.000000000e+00, v12;
	v16 =	vpop (erf)  }
0x66: {  	v15 =	vsub.f32 $0.0e+00, v11;
	v4 =	vmul.f32 v16, v4  }
0x67: {  	v13 =	vadd.f32 $-1.000000000e+00, v13;
	v14 =	vmul.f32 $1.442695020e+00, v14;
	v12 =	vadd.f32 v12, v6;
	v6 =	vpop (erf)  }
0x68: {  	v15 =	vmul.f32 $1.442695020e+00, v15;
	v5 =	vmul.f32 v6, v5;
	v4 =	vadd.f32 $-1.000000000e+00, v4  }
0x69: {  	v13 =	vadd.f32 v13, v7;
	(erf) = vpow2.f32 v14;
	v6 =	vsub.f32 $0.0e+00, v12  }
0x6a: {  	v5 =	vadd.f32 $-1.000000000e+00, v5;
	v4 =	vadd.f32 v4, v8  }
0x6b: {  	(erf) = vpow2.f32 v15;
	v7 =	vsub.f32 $0.0e+00, v13;
	v6 =	vmul.f32 $1.442695020e+00, v6  }
0x6c: {  	v5 =	vadd.f32 v5, v9;
	v4 =	vmul.f32 $2.300000040e-01, v4  }
0x6d: {  	v7 =	vmul.f32 $1.442695020e+00, v7;
	(erf) = vpow2.f32 v6  }
0x6e: {  	v5 =	vmul.f32 $2.300000040e-01, v5;
	v4 =	vmul.f32 $1.442695020e+00, v4  }
0x6f: {  	(erf) = vpow2.f32 v7  }
0x70: {  	v5 =	vmul.f32 $1.442695020e+00, v5;
	_ =	sdelay $0x1  }
0x71: {  	(erf) = vpow2.f32 v4;
	v4 =	vpop (erf)  }
0x72: {  	v4 =	vmul.f32 v4, v2  }
0x73: {  	(erf) = vpow2.f32 v5;
	v5 =	vpop (erf)  }
0x74: {  	v5 =	vmul.f32 v5, v3;
	v4 =	vadd.f32 $-1.000000000e+00, v4;
	_ =	sdelay $0x1  }
0x75: {  	v7 =	vpop (erf);
	v5 =	vadd.f32 $-1.000000000e+00, v5;
	v6 =	vadd.f32 v4, v10  }
0x76: {  	v8 =	vpop (erf);
	v4 =	vmul.f32 v7, v0  }
0x77: {  	v7 =	vadd.f32 v5, v11;
	v5 =	vmul.f32 v8, v1;
	v8 =	vsub.f32 $0.0e+00, v6;
	_ =	sdelay $0x1  }
0x78: {  	v4 =	vadd.f32 $-1.000000000e+00, v4  }
0x79: {  	v10 =	vpop (erf);
	v9 =	vsub.f32 $0.0e+00, v7;
	v5 =	vadd.f32 $-1.000000000e+00, v5  }
0x7a: {  	v63 =	vmul.f32 $2.134471650e+00, v10;
	v11 =	vmul.f32 $1.442695020e+00, v8;
	v4 =	vadd.f32 v4, v12;
	v8 =	vpop (erf)  }
0x7b: {  	s0 =	simm.s32 $0x2810;
	v10 =	vmul.f32 $1.442695020e+00, v9;
	v5 =	vadd.f32 v5, v13;
	v8 =	vmul.f32 $2.134471650e+00, v8  }
0x7c: {  	s1 =	simm.s32 $0x40;
	s2 =	simm.s32 $0x27F0;
	[tilespmem:s0+$0x0] =	vst v63;
	(erf) = vpow2.f32 v11;
	v9 =	vsub.f32 $0.0e+00, v4  }
.LBB2_2:
0x7d: {  	v11 =	vld [tilespmem:s2+$0x0];
	s1 =	sadd.s32 $0x20, s1;
	(erf) = vpow2.f32 v10;
	v10 =	vsub.f32 $0.0e+00, v5;
	[tilespmem:s0+$0xFFFFFFF0] =	vst v8  }
0x7e: {  	v8 =	vld [tilespmem:s2+$0xFFFFFFF0];
	p0 =	slt.u32 s1, $0x60;
	v9 =	vmul.f32 $1.442695020e+00, v9  }
0x7f: {  	v10 =	vmul.f32 $1.442695020e+00, v10  }
0x80: {  	(erf) = vpow2.f32 v9  }
0x81: {  	(erf) = vpow2.f32 v10  }
0x82: {  	v9 =	vshra.s32 v11, $0x17  }
0x83: {  	v10 =	vshra.s32 v8, $0x17;
	v9 =	vadd.s32 $0xFFFFFF81, v9  }
0x84: {  	v10 =	vadd.s32 $0xFFFFFF81, v10;
	v9 =	vcvt.s32.f32 v9  }
0x85: {  	v10 =	vcvt.s32.f32 v10;
	v12 =	vpop (erf)  }
0x86: {  	v9 =	vmul.f32 $6.931471820e-01, v9;
	v12 =	vmul.f32 v12, v2;
	v13 =	vpop (erf)  }
0x87: {  	v10 =	vmul.f32 $6.931471820e-01, v10;
	v13 =	vmul.f32 v13, v3  }
0x88: {  	v14 =	vsub.f32 $0.0e+00, v9;
	v12 =	vadd.f32 $-1.000000000e+00, v12  }
0x89: {  	v15 =	vsub.f32 $0.0e+00, v10;
	v13 =	vadd.f32 $-1.000000000e+00, v13;
	v16 =	vpop (erf)  }
0x8a: {  	v14 =	vmul.f32 $1.442695020e+00, v14;
	v12 =	vadd.f32 v12, v6;
	v6 =	vmul.f32 v16, v0;
	v0 =	vpop (erf)  }
0x8b: {  	v15 =	vmul.f32 $1.442695020e+00, v15;
	v13 =	vadd.f32 v13, v7;
	v7 =	vmul.f32 v0, v1;
	v0 =	vmovc v2;
	v2 =	vmovc v11  }
0x8c: {  	v1 =	vmovc v3;
	v3 =	vmovc v8;
	(erf) = vpow2.f32 v14;
	v11 =	vsub.f32 $0.0e+00, v12;
	v6 =	vadd.f32 $-1.000000000e+00, v6  }
0x8d: {  	(erf) = vpow2.f32 v15;
	v8 =	vsub.f32 $0.0e+00, v13;
	v7 =	vadd.f32 $-1.000000000e+00, v7  }
0x8e: {  	v11 =	vmul.f32 $1.442695020e+00, v11;
	v4 =	vadd.f32 v6, v4  }
0x8f: {  	v6 =	vmul.f32 $1.442695020e+00, v8;
	v5 =	vadd.f32 v7, v5  }
0x90: {  	(erf) = vpow2.f32 v11;
	v4 =	vmul.f32 $2.300000040e-01, v4  }
0x91: {  	(erf) = vpow2.f32 v6;
	v5 =	vmul.f32 $2.300000040e-01, v5  }
0x92: {  	v6 =	vmul.f32 $1.442695020e+00, v4  }
0x93: {  	v7 =	vmul.f32 $1.442695020e+00, v5  }
0x94: {  	(erf) = vpow2.f32 v6  }
0x95: {  	v4 =	vpop (erf);
	(erf) = vpow2.f32 v7  }
0x96: {  	v4 =	vmul.f32 v4, v2;
	v5 =	vpop (erf)  }
0x97: {  	v5 =	vmul.f32 v5, v3  }
0x98: {  	v4 =	vadd.f32 $-1.000000000e+00, v4  }
0x99: {  	v5 =	vadd.f32 $-1.000000000e+00, v5;
	v7 =	vpop (erf)  }
0x9a: {  	v6 =	vadd.f32 v4, v9;
	v4 =	vmul.f32 v7, v0;
	v8 =	vpop (erf)  }
0x9b: {  	v7 =	vadd.f32 v5, v10;
	v5 =	vmul.f32 v8, v1  }
.Ltmp0:
0x9c: {  	v14 =	vsub.f32 $0.0e+00, v6;
	v4 =	vadd.f32 $-1.000000000e+00, v4;
	(pc) =	sbr.rel @p0 .LBB2_2-.Ltmp0, $4  }
0x9d: {  	v9 =	vsub.f32 $0.0e+00, v7;
	v5 =	vadd.f32 $-1.000000000e+00, v5;
	v10 =	vpop (erf)  }
0x9e: {  	v11 =	vmul.f32 $1.442695020e+00, v14;
	v4 =	vadd.f32 v4, v12;
	v12 =	vmul.f32 $2.134471650e+00, v10;
	v8 =	vpop (erf)  }
0x9f: {  	s0 =	sadd.s32 $0x20, s0;
	v10 =	vmul.f32 $1.442695020e+00, v9;
	v5 =	vadd.f32 v5, v13;
	v8 =	vmul.f32 $2.134471650e+00, v8  }
0xa0: {  	s2 =	sadd.s32 $0x20, s2;
	(erf) = vpow2.f32 v11;
	v9 =	vsub.f32 $0.0e+00, v4;
	[tilespmem:s0+$0x0] =	vst v12  }
0xa1: {  	(erf) = vpow2.f32 v10;
	_ =	sdelay $0x7  }
0xa2: {  	v10 =	vpop (erf)  }
0xa3: {  	v10 =	vmul.f32 v10, v2;
	v11 =	vpop (erf)  }
0xa4: {  	v11 =	vmul.f32 v11, v3  }
0xa5: {  	v10 =	vadd.f32 $-1.000000000e+00, v10  }
0xa6: {  	v11 =	vadd.f32 $-1.000000000e+00, v11  }
0xa7: {  	v6 =	vadd.f32 v10, v6  }
0xa8: {  	v10 =	vsub.f32 $0.0e+00, v5;
	v7 =	vadd.f32 v11, v7  }
0xa9: {  	v9 =	vmul.f32 $1.442695020e+00, v9;
	v11 =	vsub.f32 $0.0e+00, v6  }
0xaa: {  	v10 =	vmul.f32 $1.442695020e+00, v10;
	v12 =	vsub.f32 $0.0e+00, v7  }
0xab: {  	(erf) = vpow2.f32 v9;
	v9 =	vmul.f32 $1.442695020e+00, v11  }
0xac: {  	(erf) = vpow2.f32 v10;
	v10 =	vmul.f32 $1.442695020e+00, v12  }
0xad: {  	(erf) = vpow2.f32 v9  }
0xae: {  	(erf) = vpow2.f32 v10;
	_ =	sdelay $0x5  }
0xaf: {  	v9 =	vpop (erf)  }
0xb0: {  	v0 =	vmul.f32 v9, v0;
	v9 =	vpop (erf)  }
0xb1: {  	v1 =	vmul.f32 v9, v1;
	v9 =	vpop (erf)  }
0xb2: {  	v0 =	vadd.f32 $-1.000000000e+00, v0;
	v9 =	vmul.f32 v9, v2;
	v10 =	vpop (erf)  }
0xb3: {  	v1 =	vadd.f32 $-1.000000000e+00, v1;
	v10 =	vmul.f32 v10, v3  }
0xb4: {  	v0 =	vadd.f32 v0, v4;
	v4 =	vadd.f32 $-1.000000000e+00, v9  }
0xb5: {  	v1 =	vadd.f32 v1, v5;
	v5 =	vadd.f32 $-1.000000000e+00, v10  }
0xb6: {  	v0 =	vmul.f32 $2.300000040e-01, v0;
	v4 =	vadd.f32 v4, v6  }
0xb7: {  	v1 =	vmul.f32 $2.300000040e-01, v1;
	v5 =	vadd.f32 v5, v7  }
0xb8: {  	v0 =	vmul.f32 $1.442695020e+00, v0;
	v6 =	vsub.f32 $0.0e+00, v4  }
0xb9: {  	v1 =	vmul.f32 $1.442695020e+00, v1;
	v7 =	vsub.f32 $0.0e+00, v5  }
0xba: {  	(erf) = vpow2.f32 v0;
	v0 =	vmul.f32 $1.442695020e+00, v6  }
0xbb: {  	(erf) = vpow2.f32 v1;
	v1 =	vmul.f32 $1.442695020e+00, v7  }
0xbc: {  	(erf) = vpow2.f32 v0  }
0xbd: {  	(erf) = vpow2.f32 v1;
	_ =	sdelay $0x5  }
0xbe: {  	v0 =	vpop (erf)  }
0xbf: {  	v1 =	vpop (erf)  }
0xc0: {  	v6 =	vpop (erf)  }
0xc1: {  	v2 =	vmul.f32 v6, v2;
	v6 =	vpop (erf)  }
0xc2: {  	v3 =	vmul.f32 v6, v3  }
0xc3: {  	v2 =	vadd.f32 $-1.000000000e+00, v2  }
0xc4: {  	v3 =	vadd.f32 $-1.000000000e+00, v3  }
0xc5: {  	v2 =	vadd.f32 v2, v4  }
0xc6: {  	v3 =	vadd.f32 v3, v5  }
0xc7: {  	v2 =	vmul.f32 $2.300000040e-01, v2  }
0xc8: {  	v3 =	vmul.f32 $2.300000040e-01, v3  }
0xc9: {  	v2 =	vmul.f32 $1.442695020e+00, v2  }
0xca: {  	v3 =	vmul.f32 $1.442695020e+00, v3  }
0xcb: {  	(erf) = vpow2.f32 v2  }
0xcc: {  	(erf) = vpow2.f32 v3;
	_ =	sdelay $0x6  }
0xcd: {  	v0 =	vmul.f32 $2.134471650e+00, v0  }
0xce: {  	[tilespmem:s0+$0xFFFFFFF0] =	vst v8;
	s18 =	sadd.s32 $0x20, s0;
	v1 =	vmul.f32 $2.134471650e+00, v1;
	v2 =	vpop (erf)  }
0xcf: {  	[tilespmem:s18+$0x0] =	vst v0;
	v0 =	vmul.f32 $2.134471650e+00, v2;
	v2 =	vpop (erf)  }
0xd0: {  	s0 =	sadd.s32 $0x20, s18;
	[tilespmem:s18+$0xFFFFFFF0] =	vst v1;
	v1 =	vmul.f32 $2.134471650e+00, v2  }
0xd1: {  	[tilespmem:s0+$0x0] =	vst v0  }
0xd2: {  	s1 =	simm.s32 $0x20;
	[tilespmem:s0+$0xFFFFFFF0] =	vst v1  }
0xd3: {  	v4 =	vld [tilespmem:s1+$0x10]  }
0xd4: {  	v8 =	vld [tilespmem:s1+$0xFFFFFFF0]  }
0xd5: {  	v7 =	vld [tilespmem:s1+$0x0];
	_ =	sdelay $0x2  }
0xd6: {  	p2 =	por $0x1, $0x1  }
.Ltmp1:
0xd7: {  	_ = 	snop;
	(pc) =	sbr.rel @!p2 .LBB2_4-.Ltmp1, $4  }
0xd8: {  	v10 =	vld [tilespmem:s1+$0xFFFFFFE0]  }
0xd9: {  	v2 =	vld.idx.msk [tilespmem:v4+s22+$0x0], $0xffff  }
0xda: {  	s2 =	simm.s32 $0x60;
	p0 =	por $0x0, $0x0;
	v0 =	vld.idx.msk [tilespmem:v8+s22+$0x0], $0xffff  }
0xdb: {  	p1 =	por $0x0, $0x0;
	s0 =	simm.s32 $0x50A0;
	s1 =	simm.s32 $0x2920;
	v1 =	vld.idx.msk [tilespmem:v7+s22+$0x0], $0xffff  }
0xdc: {  	_ =	sdelay $0x1  }
0xdd: {  	v14 =	vld [tilespmem:s2+$0x10]  }
0xde: {  	v13 =	vld [tilespmem:s2+$0xFFFFFFF0]  }
0xdf: {  	v12 =	vld [tilespmem:s2+$0x0]  }
0xe0: {  	v6 =	vld.idx.msk [tilespmem:v10+s22+$0x0], $0xffff  }
0xe1: {  	[tilespmem:s1+$0x10] =	vst v2  }
0xe2: {  	v3 =	vld.idx.msk [tilespmem:v4+s24+$0x0], $0xffff  }
0xe3: {  	p2 =	por $0x1, $0x1;
	v4 =	vld [tilespmem:s2+$0xFFFFFFE0];
	[tilespmem:s1+$0xFFFFFFF0] =	vst v0  }
.Ltmp2:
0xe4: {  	v5 =	vld.idx.msk [tilespmem:v8+s24+$0x0], $0xffff;
	[tilespmem:s1+$0x0] =	vst v1;
	(pc) =	sbr.rel @!p2 .LBB2_6-.Ltmp2, $4  }
0xe5: {  	[tilespmem:s1+$0xFFFFFFE0] =	vst v6;
	v6 =	vld.idx.msk [tilespmem:v7+s24+$0x0], $0xffff  }
0xe6: {  	v2 =	vld.idx.msk [tilespmem:v14+s22+$0x0], $0xffff  }
0xe7: {  	v0 =	vld.idx.msk [tilespmem:v13+s22+$0x0], $0xffff  }
0xe8: {  	p0 =	por $0x1, $0x1;
	s2 =	simm.s32 $0xA0;
	[tilespmem:s0+$0x10] =	vst v3;
	v1 =	vld.idx.msk [tilespmem:v12+s22+$0x0], $0xffff  }
0xe9: {  	v11 =	vld [tilespmem:s2+$0x10]  }
0xea: {  	v7 =	vld [tilespmem:s2+$0xFFFFFFF0]  }
0xeb: {  	v8 =	vld [tilespmem:s2+$0x0]  }
0xec: {  	v3 =	vld [tilespmem:s2+$0xFFFFFFE0]  }
0xed: {  	s15 =	simm.s32 $0x2960;
	[tilespmem:s0+$0xFFFFFFF0] =	vst v5;
	v15 =	vld.idx.msk [tilespmem:v4+s22+$0x0], $0xffff  }
0xee: {  	v9 =	vld.idx.msk [tilespmem:v10+s24+$0x0], $0xffff;
	[tilespmem:s15+$0x10] =	vst v2  }
0xef: {  	p2 =	por $0x1, $0x1;
	v14 =	vld.idx.msk [tilespmem:v14+s24+$0x0], $0xffff;
	[tilespmem:s15+$0xFFFFFFF0] =	vst v0  }
.Ltmp3:
0xf0: {  	v5 =	vld.idx.msk [tilespmem:v13+s24+$0x0], $0xffff;
	[tilespmem:s15+$0x0] =	vst v1;
	(pc) =	sbr.rel @!p2 .LBB2_8-.Ltmp3, $4  }
0xf1: {  	[tilespmem:s0+$0x0] =	vst v6;
	v6 =	vld.idx.msk [tilespmem:v12+s24+$0x0], $0xffff  }
0xf2: {  	v2 =	vld.idx.msk [tilespmem:v11+s22+$0x0], $0xffff  }
0xf3: {  	s2 =	simm.s32 $0x50E0;
	s17 =	simm.s32 $0x80;
	[tilespmem:s15+$0xFFFFFFE0] =	vst v15;
	v0 =	vld.idx.msk [tilespmem:v7+s22+$0x0], $0xffff  }
0xf4: {  	s18 =	simm.s32 $0xE0;
	p1 =	por $0x1, $0x1;
	s16 =	simm.s32 $0x50A0;
	[tilespmem:s2+$0x10] =	vst v14;
	v1 =	vld.idx.msk [tilespmem:v8+s22+$0x0], $0xffff  }
.LBB2_9:
0xf5: {  	v10 =	vld [tilespmem:s18+$0x10];
	s17 =	sadd.s32 $0x40, s17;
	[tilespmem:s16+$0xFFFFFFE0] =	vst v9;
	s16 =	smov.u32 s2  }
0xf6: {  	s15 =	sadd.s32 $0x40, s15;
	v12 =	vld [tilespmem:s18+$0xFFFFFFF0];
	p2 =	slt.u32 s17, $0x26C0;
	[tilespmem:s2+$0xFFFFFFF0] =	vst v5  }
0xf7: {  	v13 =	vld [tilespmem:s18+$0x0];
	[tilespmem:s15+$0x10] =	vst v2  }
0xf8: {  	[tilespmem:s15+$0xFFFFFFF0] =	vst v0;
	v14 =	vld.idx.msk [tilespmem:v11+s24+$0x0], $0xffff  }
0xf9: {  	v15 =	vld [tilespmem:s18+$0xFFFFFFE0];
	[tilespmem:s15+$0x0] =	vst v1  }
0xfa: {  	v16 =	vld.idx.msk [tilespmem:v3+s22+$0x0], $0xffff;
	[tilespmem:s2+$0x0] =	vst v6;
	v11 =	vmov v10  }
0xfb: {  	v9 =	vld.idx.msk [tilespmem:v4+s24+$0x0], $0xffff;
	v4 =	vmov v3  }
.Ltmp4:
0xfc: {  	v5 =	vld.idx.msk [tilespmem:v7+s24+$0x0], $0xffff;
	v7 =	vmov v12;
	(pc) =	sbr.rel @p2 .LBB2_9-.Ltmp4, $4  }
0xfd: {  	s2 =	sadd.s32 $0x40, s2;
	v2 =	vld.idx.msk [tilespmem:v10+s22+$0x0], $0xffff  }
0xfe: {  	v0 =	vld.idx.msk [tilespmem:v12+s22+$0x0], $0xffff;
	[tilespmem:s2+$0x10] =	vst v14;
	v3 =	vmov v15  }
0xff: {  	v1 =	vld.idx.msk [tilespmem:v13+s22+$0x0], $0xffff  }
0x100: {  	s18 =	sadd.s32 $0x40, s18;
	[tilespmem:s15+$0xFFFFFFE0] =	vst v16;
	v6 =	vld.idx.msk [tilespmem:v8+s24+$0x0], $0xffff;
	v8 =	vmov v13  }
0x101: {  	v14 =	vmovc v11;
	v10 =	vmov v4;
	v13 =	vmov v7;
	v12 =	vmov v8  }
.LBB2_11:
0x102: {  	_ =	sdelay $0x1  }
0x103: {  	s15 =	sadd.s32 @p0 $0x40, s15  }
0x104: {  	s1 =	smov.u32 @p0 s15  }
0x105: {  	[tilespmem:s1+$0x10] =	vst v2;
	v2 =	vld.idx.msk [tilespmem:v3+s22+$0x0], $0xffff  }
0x106: {  	[tilespmem:s2+$0xFFFFFFF0] =	vst @p0 v5;
	v5 =	vld.idx.msk @p0 [tilespmem:v10+s24+$0x0], $0xffff  }
0x107: {  	[tilespmem:s1+$0xFFFFFFF0] =	vst v0;
	v4 =	vld.idx.msk [tilespmem:v14+s24+$0x0], $0xffff  }
0x108: {  	[tilespmem:s1+$0x0] =	vst v1;
	v0 =	vld.idx.msk [tilespmem:v13+s24+$0x0], $0xffff  }
0x109: {  	[tilespmem:s16+$0xFFFFFFE0] =	vst @p1 v9;
	v1 =	vld.idx.msk [tilespmem:v12+s24+$0x0], $0xffff  }
0x10a: {  	s15 =	sadd.s32 @p0 $0x40, s2;
	[tilespmem:s1+$0xFFFFFFE0] =	vst v2  }
0x10b: {  	s0 =	smov.u32 @p0 s15;
	[tilespmem:s2+$0x0] =	vst @p0 v6;
	v2 =	vld.idx.msk [tilespmem:v3+s24+$0x0], $0xffff  }
0x10c: {  	[tilespmem:s0+$0x10] =	vst v4  }
0x10d: {  	s1 =	smov.u32 @p0 s2;
	[tilespmem:s0+$0xFFFFFFF0] =	vst v0  }
0x10e: {  	v3 =	vpsel p0, v5, v0;
	s1 =	smov.u32 @p0 s1;
	[tilespmem:s0+$0x0] =	vst v1  }
0x10f: {  	[tilespmem:s1+$0xFFFFFFE0] =	vst @p0 v3  }
0x110: {  	[tilespmem:s0+$0xFFFFFFE0] =	vst v2  }
0x111: {  	v0 =	vld [tilespmem:$0x2700];
	_ =	sdelay $0x7  }
0x112: {  	v1 =	vld.idx.msk [tilespmem:v0+s22+$0x0], $0xffff;
	_ =	sdelay $0x4  }
0x113: {  	[tilespmem:$0x5000] =	vst v1  }
0x114: {  	v0 =	vld.idx.msk [tilespmem:v0+s24+$0x0], $0xffff;
	_ =	sdelay $0x4  }
0x115: {  	[tilespmem:$0x7780] =	vst v0  }
0x116: {  	v1 =	vld [tilespmem:$0x2880];
	_ =	swait.ge [sflag:s25], $0x2710  }
0x117: {  	[sflag:s25] =	ssyncset.done $0x0  }
0x118: {  	[sflag:s25] =	ssyncadd.s32 $0xFFFFD8F0  }
0x119: {  	_ =	swait.ge [sflag:s25], $0x2710  }
0x11a: {  	[sflag:s25] =	ssyncset.done $0x0  }
0x11b: {  	[sflag:s25] =	ssyncadd.s32 $0xFFFFD8F0  }
0x11c: {  	_ =	swait.ge [sflag:s25], $0x2710  }
0x11d: {  	[sflag:s25] =	ssyncset.done $0x0  }
0x11e: {  	s15 =	simm.s32 $0x7820;
	[sflag:s25] =	ssyncadd.s32 $0xFFFFD8F0  }
0x11f: {  	s16 =	simm.s32 $0xC6A0;
	v4 =	vld [tilespmem:s15+$0x10]  }
0x120: {  	v5 =	vld [tilespmem:s16+$0x10]  }
0x121: {  	v6 =	vld [tilespmem:s16+$0xFFFFFFE0]  }
0x122: {  	v7 =	vld [tilespmem:s15+$0xFFFFFFF0]  }
0x123: {  	v8 =	vld [tilespmem:s16+$0xFFFFFFF0]  }
0x124: {  	v9 =	vld [tilespmem:s15+$0x0]  }
0x125: {  	v10 =	vld [tilespmem:s16+$0x0]  }
0x126: {  	s17 =	simm.s32 $0x11520;
	v11 =	vld [tilespmem:s15+$0xFFFFFFE0]  }
0x127: {  	v12 =	vld [tilespmem:s17+$0x10]  }
0x128: {  	v20 =	vld [tilespmem:s17+$0xFFFFFFE0]  }
0x129: {  	v0 =	vld.idx.msk [tilespmem:v4+s28+$0x0], $0xffff  }
0x12a: {  	v2 =	vld.idx.msk [tilespmem:v5+s28+$0x0], $0xffff  }
0x12b: {  	v13 =	vld.idx.msk [tilespmem:v6+s28+$0x0], $0xffff  }
0x12c: {  	v14 =	vld.idx.msk [tilespmem:v7+s28+$0x0], $0xffff  }
0x12d: {  	v15 =	vld.idx.msk [tilespmem:v8+s28+$0x0], $0xffff  }
0x12e: {  	v16 =	vld.idx.msk [tilespmem:v9+s28+$0x0], $0xffff  }
0x12f: {  	v17 =	vld.idx.msk [tilespmem:v11+s28+$0x0], $0xffff  }
0x130: {  	v4 =	vld.idx.msk [tilespmem:v4+s26+$0x0], $0xffff  }
0x131: {  	v5 =	vld.idx.msk [tilespmem:v5+s26+$0x0], $0xffff  }
0x132: {  	v19 =	vld.idx.msk [tilespmem:v10+s28+$0x0], $0xffff  }
0x133: {  	v22 =	vld [tilespmem:s17+$0xFFFFFFF0]  }
0x134: {  	v25 =	vld [tilespmem:s17+$0x0];
	v0 =	vadd.f32 v2, v0  }
0x135: {  	v3 =	vmul.f32 $2.802200020e-01, v1;
	v2 =	vmul.f32 $2.817000080e-02, v1;
	v13 =	vadd.f32 v13, v17  }
0x136: {  	v14 =	vadd.f32 v15, v14;
	v4 =	vmul.f32 v5, v4;
	v18 =	vmul.f32 v0, v12  }
0x137: {  	v16 =	vadd.f32 v19, v16;
	v0 =	vmul.f32 $5.098599790e-01, v1;
	v1 =	vmul.f32 $1.817500000e-01, v1  }
0x138: {  	v13 =	vmul.f32 v13, v20;
	v14 =	vmul.f32 v14, v22  }
0x139: {  	v16 =	vmul.f32 v16, v25;
	v21 =	vmul.f32 $-2.016199980e-01, v18  }
0x13a: {  	v23 =	vmul.f32 $-4.029000100e-01, v18;
	v24 =	vmul.f32 $-9.422900080e-01, v18  }
0x13b: {  	v18 =	vmul.f32 $-3.199800010e+00, v18;
	v19 =	vmul.f32 $-4.029000100e-01, v14  }
0x13c: {  	v26 =	vmul.f32 $-9.422900080e-01, v13;
	v28 =	vmul.f32 $-9.422900080e-01, v14  }
0x13d: {  	v21 =	vmul.f32 $1.442695020e+00, v21;
	v17 =	vmul.f32 $1.442695020e+00, v23  }
0x13e: {  	v15 =	vmul.f32 $1.442695020e+00, v24;
	v19 =	vmul.f32 $1.442695020e+00, v19  }
0x13f: {  	(erf) = vpow2.f32 v21;
	v21 =	vmul.f32 $-2.016199980e-01, v16  }
0x140: {  	(erf) = vpow2.f32 v17;
	v17 =	vmul.f32 $1.442695020e+00, v18  }
0x141: {  	v18 =	vmul.f32 $-4.029000100e-01, v13;
	(erf) = vpow2.f32 v15  }
0x142: {  	v15 =	vmul.f32 $-2.016199980e-01, v13;
	v21 =	vmul.f32 $1.442695020e+00, v21  }
0x143: {  	v13 =	vmul.f32 $-3.199800010e+00, v13;
	(erf) = vpow2.f32 v17  }
0x144: {  	v17 =	vmul.f32 $-2.016199980e-01, v14;
	v18 =	vmul.f32 $1.442695020e+00, v18  }
0x145: {  	s0 =	simm.s32 $0xC6E0;
	v14 =	vmul.f32 $-3.199800010e+00, v14;
	(erf) = vrcp.f32 v12  }
0x146: {  	s2 =	simm.s32 $0x11560;
	v30 =	vld [tilespmem:s0+$0x0];
	v12 =	vmul.f32 $1.442695020e+00, v15;
	v15 =	vmul.f32 $-4.029000100e-01, v16  }
0x147: {  	v31 =	vld [tilespmem:s2+$0x10];
	v13 =	vmul.f32 $1.442695020e+00, v13;
	v17 =	vmul.f32 $1.442695020e+00, v17  }
0x148: {  	v11 =	vld.idx.msk [tilespmem:v11+s26+$0x0], $0xffff;
	v14 =	vmul.f32 $1.442695020e+00, v14;
	v15 =	vmul.f32 $1.442695020e+00, v15  }
0x149: {  	v6 =	vld.idx.msk [tilespmem:v6+s26+$0x0], $0xffff;
	v23 =	vpop (erf);
	(erf) = vpow2.f32 v12;
	v12 =	vmul.f32 $-9.422900080e-01, v16  }
0x14a: {  	v7 =	vld.idx.msk [tilespmem:v7+s26+$0x0], $0xffff;
	v16 =	vmul.f32 $-3.199800010e+00, v16;
	v24 =	vpop (erf);
	(erf) = vpow2.f32 v18  }
0x14b: {  	v8 =	vld.idx.msk [tilespmem:v8+s26+$0x0], $0xffff;
	v23 =	vmul.f32 v23, v2;
	v27 =	vpop (erf);
	(erf) = vpow2.f32 v17  }
0x14c: {  	s18 =	simm.s32 $0x7860;
	v9 =	vld.idx.msk [tilespmem:v9+s26+$0x0], $0xffff;
	v17 =	vmul.f32 $1.442695020e+00, v26;
	v29 =	vpop (erf);
	(erf) = vpow2.f32 v19  }
0x14d: {  	v26 =	vld [tilespmem:s18+$0x10];
	v12 =	vmul.f32 $1.442695020e+00, v12;
	(erf) = vpow2.f32 v21  }
0x14e: {  	v19 =	vmul.f32 $1.442695020e+00, v28;
	(erf) = vpow2.f32 v15;
	v15 =	vld [tilespmem:s0+$0x10]  }
0x14f: {  	v10 =	vld.idx.msk [tilespmem:v10+s26+$0x0], $0xffff;
	v24 =	vmul.f32 v24, v3;
	(erf) = vpow2.f32 v17  }
0x150: {  	v16 =	vmul.f32 $1.442695020e+00, v16;
	v28 =	vld [tilespmem:s0+$0xFFFFFFF0];
	(erf) = vpow2.f32 v19  }
0x151: {  	v27 =	vmul.f32 v27, v0;
	v21 =	vpop (erf);
	v17 =	vld [tilespmem:s0+$0xFFFFFFE0];
	v19 =	vadd.f32 v24, v23;
	(erf) = vpow2.f32 v12  }
0x152: {  	v18 =	vmul.f32 v29, v1;
	v24 =	vld [tilespmem:s18+$0xFFFFFFF0];
	v12 =	vpop (erf);
	(erf) = vpow2.f32 v13  }
0x153: {  	v4 =	vmul.f32 v4, v21;
	v13 =	vadd.f32 v19, v27;
	v19 =	vld [tilespmem:s18+$0x0];
	v5 =	vpop (erf);
	(erf) = vpow2.f32 v14  }
0x154: {  	v27 =	vld [tilespmem:s18+$0xFFFFFFE0];
	v14 =	vpop (erf);
	(erf) = vpow2.f32 v16  }
0x155: {  	v6 =	vmul.f32 v6, v11;
	v13 =	vadd.f32 v13, v18;
	v18 =	vld.idx.msk [tilespmem:v26+s28+$0x0], $0xffff;
	v16 =	vpop (erf);
	(erf) = vrcp.f32 v20  }
0x156: {  	v7 =	vmul.f32 v8, v7;
	v20 =	vpop (erf);
	v21 =	vld.idx.msk [tilespmem:v15+s28+$0x0], $0xffff;
	(erf) = vrcp.f32 v22  }
0x157: {  	v26 =	vld.idx.msk [tilespmem:v26+s26+$0x0], $0xffff;
	v29 =	vmul.f32 v13, v4;
	v4 =	vpop (erf);
	(erf) = vrcp.f32 v25  }
0x158: {  	v9 =	vmul.f32 v10, v9;
	v15 =	vld.idx.msk [tilespmem:v15+s26+$0x0], $0xffff;
	v25 =	vmul.f32 v5, v3;
	v5 =	vpop (erf)  }
0x159: {  	v14 =	vmul.f32 v14, v2;
	v13 =	vmul.f32 v12, v2;
	v12 =	vpop (erf)  }
0x15a: {  	v39 =	vld.idx.msk [tilespmem:v30+s28+$0x0], $0xffff;
	v16 =	vmul.f32 v16, v3;
	v20 =	vmul.f32 v20, v2;
	v11 =	vpop (erf)  }
0x15b: {  	v8 =	vld [tilespmem:s2+$0xFFFFFFE0];
	v32 =	vmul.f32 v4, v3;
	v33 =	vmul.f32 v5, v0;
	v4 =	vpop (erf);
	v5 =	vadd.f32 v21, v18  }
0x15c: {  	v22 =	vld.idx.msk [tilespmem:v17+s28+$0x0], $0xffff;
	v34 =	vmul.f32 v12, v0;
	v11 =	vmul.f32 v11, v0;
	v12 =	vpop (erf)  }
0x15d: {  	v23 =	vld.idx.msk [tilespmem:v24+s28+$0x0], $0xffff;
	v63 =	vmul.f32 v15, v26;
	v35 =	vpop (erf);
	v36 =	vmul.f32 v5, v31  }
0x15e: {  	v37 =	vld.idx.msk [tilespmem:v27+s28+$0x0], $0xffff;
	v38 =	vmul.f32 v4, v1;
	v59 =	vmul.f32 v12, v1;
	v4 =	vpop (erf)  }
0x15f: {  	v18 =	vld.idx.msk [tilespmem:v28+s28+$0x0], $0xffff;
	v5 =	vmul.f32 v6, v4;
	v4 =	vpop (erf);
	v40 =	vmul.f32 $-2.016199980e-01, v36  }
0x160: {  	v21 =	vld.idx.msk [tilespmem:v19+s28+$0x0], $0xffff;
	v10 =	vpop (erf);
	v6 =	vmul.f32 v7, v4;
	v7 =	vmul.f32 $-4.029000100e-01, v36  }
0x161: {  	v4 =	vmul.f32 v9, v10;
	v10 =	vld [tilespmem:s2+$0xFFFFFFF0];
	v9 =	vmul.f32 $1.442695020e+00, v40  }
0x162: {  	v35 =	vmul.f32 v35, v1;
	v7 =	vmul.f32 $1.442695020e+00, v7  }
0x163: {  	v12 =	vld [tilespmem:s2+$0x0];
	(erf) = vpow2.f32 v9;
	v9 =	vmul.f32 $-9.422900080e-01, v36  }
0x164: {  	v22 =	vadd.f32 v22, v37;
	v18 =	vadd.f32 v18, v23;
	v23 =	vmul.f32 $-3.199800010e+00, v36  }
0x165: {  	(erf) = vpow2.f32 v7;
	v9 =	vmul.f32 $1.442695020e+00, v9  }
0x166: {  	v7 =	vadd.f32 v39, v21;
	v21 =	vmul.f32 v22, v8;
	v22 =	vmul.f32 v18, v10  }
0x167: {  	v18 =	vmul.f32 $1.442695020e+00, v23;
	(erf) = vpow2.f32 v9  }
0x168: {  	v23 =	vmul.f32 v7, v12;
	v7 =	vmul.f32 $-4.029000100e-01, v21  }
0x169: {  	(erf) = vpow2.f32 v18;
	v18 =	vmul.f32 $-2.016199980e-01, v22  }
0x16a: {  	v62 =	vmul.f32 $-9.422900080e-01, v21;
	v9 =	vmul.f32 $-2.016199980e-01, v21  }
0x16b: {  	v60 =	vmul.f32 $-4.029000100e-01, v22;
	(erf) = vrcp.f32 v31  }
0x16c: {  	v14 =	vadd.f32 v16, v14;
	v61 =	vmul.f32 $-2.016199980e-01, v23;
	v9 =	vmul.f32 $1.442695020e+00, v9  }
0x16d: {  	v13 =	vadd.f32 v25, v13;
	v25 =	vmul.f32 $-4.029000100e-01, v23;
	v16 =	vmul.f32 $1.442695020e+00, v18;
	v18 =	vpop (erf)  }
0x16e: {  	v32 =	vadd.f32 v32, v20;
	v7 =	vmul.f32 $1.442695020e+00, v7;
	v26 =	vmul.f32 $-9.422900080e-01, v23;
	v20 =	vpop (erf)  }
0x16f: {  	v33 =	vadd.f32 v13, v33;
	v13 =	vmul.f32 v18, v2;
	v18 =	vmul.f32 v20, v3  }
0x170: {  	v34 =	vadd.f32 v14, v34;
	v36 =	vmul.f32 $1.442695020e+00, v60;
	(erf) = vpow2.f32 v9;
	v9 =	vpop (erf)  }
0x171: {  	v31 =	vmul.f32 $1.442695020e+00, v61;
	v14 =	vadd.f32 v18, v13;
	v9 =	vmul.f32 v9, v0  }
0x172: {  	v15 =	vld.idx.msk [tilespmem:v17+s26+$0x0], $0xffff;
	(erf) = vpow2.f32 v7;
	v20 =	vmul.f32 $1.442695020e+00, v25;
	v18 =	vadd.f32 v32, v11;
	v11 =	vpop (erf)  }
0x173: {  	v25 =	vmul.f32 $1.442695020e+00, v62;
	v13 =	vld.idx.msk [tilespmem:v27+s26+$0x0], $0xffff;
	v17 =	vmul.f32 v11, v1;
	v9 =	vadd.f32 v14, v9  }
0x174: {  	v27 =	vmul.f32 $-9.422900080e-01, v22;
	(erf) = vpow2.f32 v16;
	v7 =	vpop (erf);
	v14 =	vld.idx.msk [tilespmem:v24+s26+$0x0], $0xffff  }
0x175: {  	s15 =	simm.s32 $0x163A0;
	(erf) = vpow2.f32 v36;
	v24 =	vadd.f32 v9, v17;
	v17 =	vld.idx.msk [tilespmem:v28+s26+$0x0], $0xffff;
	v28 =	vmul.f32 v63, v7  }
0x176: {  	[tilespmem:s15+$0x10] =	vst v29;
	v16 =	vld.idx.msk [tilespmem:v19+s26+$0x0], $0xffff;
	v11 =	vadd.f32 v33, v38;
	v27 =	vmul.f32 $1.442695020e+00, v27;
	(erf) = vpow2.f32 v31  }
0x177: {  	s1 =	simm.s32 $0x163A0;
	s16 =	simm.s32 $0x40;
	s17 =	simm.s32 $0x78A0;
	v9 =	vadd.f32 v34, v59;
	v7 =	vadd.f32 v18, v35;
	v18 =	vld.idx.msk [tilespmem:v30+s26+$0x0], $0xffff;
	v24 =	vmul.f32 v24, v28  }
.LBB2_12:
0x178: {  	v19 =	vld [tilespmem:s17+$0x10];
	v26 =	vmul.f32 $1.442695020e+00, v26;
	s0 =	sadd.s32 $0x40, s0;
	(erf) = vpow2.f32 v20;
	s15 =	sadd.s32 $0x40, s15  }
0x179: {  	v21 =	vmul.f32 $-3.199800010e+00, v21;
	v22 =	vmul.f32 $-3.199800010e+00, v22;
	v20 =	vld [tilespmem:s0+$0x10];
	[tilespmem:s15+$0x10] =	vst v24  }
0x17a: {  	s16 =	sadd.s32 $0x40, s16;
	v23 =	vmul.f32 $-3.199800010e+00, v23;
	v24 =	vld [tilespmem:s0+$0xFFFFFFE0];
	(erf) = vpow2.f32 v25  }
0x17b: {  	p0 =	slt.u32 s16, $0x26C0;
	v21 =	vmul.f32 $1.442695020e+00, v21;
	v25 =	vld [tilespmem:s17+$0xFFFFFFF0];
	v28 =	vpop (erf);
	(erf) = vpow2.f32 v27  }
0x17c: {  	v22 =	vmul.f32 $1.442695020e+00, v22;
	v27 =	vld [tilespmem:s0+$0xFFFFFFF0];
	(erf) = vpow2.f32 v26  }
0x17d: {  	v23 =	vmul.f32 $1.442695020e+00, v23;
	v26 =	vld [tilespmem:s17+$0x0];
	v29 =	vpop (erf);
	(erf) = vpow2.f32 v21  }
0x17e: {  	v21 =	vmul.f32 v28, v2;
	v30 =	vld [tilespmem:s0+$0x0];
	v28 =	vpop (erf);
	(erf) = vpow2.f32 v22  }
0x17f: {  	v29 =	vmul.f32 v29, v3;
	v22 =	vld [tilespmem:s17+$0xFFFFFFE0];
	v31 =	vpop (erf);
	(erf) = vpow2.f32 v23  }
0x180: {  	v33 =	vmul.f32 v28, v2;
	v23 =	vld.idx.msk [tilespmem:v19+s28+$0x0], $0xffff;
	(erf) = vrcp.f32 v8;
	v8 =	vpop (erf)  }
0x181: {  	v21 =	vadd.f32 v29, v21;
	v29 =	vmul.f32 v31, v3;
	v32 =	vld.idx.msk [tilespmem:v20+s28+$0x0], $0xffff;
	(erf) = vrcp.f32 v10;
	v10 =	vpop (erf)  }
0x182: {  	v8 =	vmul.f32 v8, v2;
	v31 =	vld.idx.msk [tilespmem:v24+s28+$0x0], $0xffff;
	(erf) = vrcp.f32 v12  }
0x183: {  	v13 =	vmul.f32 v15, v13;
	s2 =	sadd.s32 $0x40, s2;
	v15 =	vadd.f32 v29, v33;
	v34 =	vmul.f32 v10, v3;
	v12 =	vld.idx.msk [tilespmem:v25+s28+$0x0], $0xffff;
	v28 =	vpop (erf)  }
0x184: {  	v14 =	vmul.f32 v17, v14;
	v29 =	vld [tilespmem:s2+$0x10];
	v35 =	vmul.f32 v28, v0;
	v17 =	vpop (erf)  }
0x185: {  	v16 =	vmul.f32 v18, v16;
	v8 =	vadd.f32 v34, v8;
	v33 =	vld.idx.msk [tilespmem:v27+s28+$0x0], $0xffff;
	v36 =	vmul.f32 v17, v0;
	v10 =	vpop (erf)  }
0x186: {  	v5 =	vmul.f32 v11, v5;
	v18 =	vld.idx.msk [tilespmem:v26+s28+$0x0], $0xffff;
	v21 =	vadd.f32 v21, v35;
	v35 =	vmul.f32 v10, v0;
	v28 =	vpop (erf)  }
0x187: {  	v11 =	vadd.f32 v32, v23;
	v34 =	vld.idx.msk [tilespmem:v22+s28+$0x0], $0xffff;
	v23 =	vmul.f32 v28, v1;
	v36 =	vadd.f32 v15, v36;
	v17 =	vpop (erf)  }
0x188: {  	v6 =	vmul.f32 v9, v6;
	v28 =	vld.idx.msk [tilespmem:v30+s28+$0x0], $0xffff;
	v17 =	vmul.f32 v17, v1;
	v32 =	vadd.f32 v8, v35;
	v10 =	vpop (erf)  }
0x189: {  	v8 =	vld [tilespmem:s2+$0xFFFFFFE0];
	v35 =	vmul.f32 v11, v29;
	v11 =	vadd.f32 v21, v23;
	v37 =	vmul.f32 v10, v1;
	v9 =	vpop (erf);
	[tilespmem:s1+$0xFFFFFFE0] =	vst v5  }
0x18a: {  	v4 =	vmul.f32 v7, v4;
	v10 =	vld [tilespmem:s2+$0xFFFFFFF0];
	v5 =	vmul.f32 v13, v9;
	v9 =	vadd.f32 v36, v17;
	v15 =	vpop (erf);
	[tilespmem:s1+$0xFFFFFFF0] =	vst v6  }
0x18b: {  	v23 =	vadd.f32 v33, v12;
	v12 =	vld [tilespmem:s2+$0x0];
	v17 =	vmul.f32 $-2.016199980e-01, v35;
	v7 =	vadd.f32 v32, v37;
	v21 =	vpop (erf)  }
0x18c: {  	v6 =	vmul.f32 v14, v15;
	v13 =	vld.idx.msk [tilespmem:v22+s26+$0x0], $0xffff;
	v22 =	vmul.f32 $-4.029000100e-01, v35;
	[tilespmem:s1+$0x0] =	vst v4;
	s1 =	smov.u32 s15  }
0x18d: {  	v4 =	vmul.f32 v16, v21;
	v15 =	vld.idx.msk [tilespmem:v24+s26+$0x0], $0xffff;
	v24 =	vadd.f32 v31, v34;
	v31 =	vmul.f32 $1.442695020e+00, v17  }
0x18e: {  	v21 =	vmul.f32 $-9.422900080e-01, v35;
	v14 =	vld.idx.msk [tilespmem:v25+s26+$0x0], $0xffff;
	v25 =	vadd.f32 v28, v18;
	v18 =	vmul.f32 $1.442695020e+00, v22  }
0x18f: {  	v17 =	vld.idx.msk [tilespmem:v27+s26+$0x0], $0xffff;
	v27 =	vmul.f32 $-3.199800010e+00, v35;
	(erf) = vpow2.f32 v31  }
0x190: {  	v16 =	vld.idx.msk [tilespmem:v26+s26+$0x0], $0xffff;
	v26 =	vmul.f32 $1.442695020e+00, v21;
	(erf) = vpow2.f32 v18  }
0x191: {  	v22 =	vmul.f32 v23, v10;
	v21 =	vmul.f32 v24, v8;
	v18 =	vld.idx.msk [tilespmem:v30+s26+$0x0], $0xffff  }
0x192: {  	v24 =	vmul.f32 $1.442695020e+00, v27;
	(erf) = vpow2.f32 v26  }
0x193: {  	v23 =	vmul.f32 v25, v12;
	v26 =	vmul.f32 $-2.016199980e-01, v21  }
0x194: {  	v25 =	vmul.f32 $-4.029000100e-01, v21;
	(erf) = vpow2.f32 v24  }
0x195: {  	v27 =	vmul.f32 $-4.029000100e-01, v22;
	v24 =	vmul.f32 $-2.016199980e-01, v22  }
0x196: {  	v28 =	vmul.f32 $-2.016199980e-01, v23;
	(erf) = vrcp.f32 v29  }
0x197: {  	v29 =	vmul.f32 $1.442695020e+00, v26;
	v26 =	vmul.f32 $-4.029000100e-01, v23;
	v19 =	vld.idx.msk [tilespmem:v19+s26+$0x0], $0xffff  }
0x198: {  	v30 =	vmul.f32 $1.442695020e+00, v25;
	v24 =	vmul.f32 $1.442695020e+00, v24;
	v25 =	vld.idx.msk [tilespmem:v20+s26+$0x0], $0xffff;
	v20 =	vpop (erf)  }
0x199: {  	v31 =	vmul.f32 $1.442695020e+00, v27;
	v28 =	vmul.f32 $1.442695020e+00, v28;
	v27 =	vpop (erf)  }
0x19a: {  	v32 =	vmul.f32 v20, v2;
	v27 =	vmul.f32 v27, v3  }
0x19b: {  	v33 =	vmul.f32 $-9.422900080e-01, v21;
	v20 =	vmul.f32 $1.442695020e+00, v26;
	v26 =	vpop (erf)  }
0x19c: {  	v34 =	vmul.f32 $-9.422900080e-01, v22;
	v27 =	vadd.f32 v27, v32;
	v32 =	vmul.f32 v26, v0  }
0x19d: {  	v26 =	vmul.f32 $-9.422900080e-01, v23;
	(erf) = vpow2.f32 v29;
	v29 =	vpop (erf)  }
.Ltmp5:
0x19e: {  	v19 =	vmul.f32 v25, v19;
	v27 =	vadd.f32 v27, v32;
	v29 =	vmul.f32 v29, v1;
	(pc) =	sbr.rel @p0 .LBB2_12-.Ltmp5, $4  }
0x19f: {  	v25 =	vmul.f32 $1.442695020e+00, v33;
	(erf) = vpow2.f32 v30;
	v30 =	vpop (erf)  }
0x1a0: {  	v29 =	vadd.f32 v27, v29;
	v19 =	vmul.f32 v19, v30;
	(erf) = vpow2.f32 v24  }
0x1a1: {  	v27 =	vmul.f32 $1.442695020e+00, v34;
	(erf) = vpow2.f32 v31  }
0x1a2: {  	s17 =	sadd.s32 $0x40, s17;
	v24 =	vmul.f32 v29, v19;
	(erf) = vpow2.f32 v28  }
0x1a3: {  	v19 =	vmul.f32 $1.442695020e+00, v26  }
0x1a4: {  	(erf) = vpow2.f32 v20;
	v20 =	vmul.f32 $-3.199800010e+00, v21  }
0x1a5: {  	v21 =	vmul.f32 $-3.199800010e+00, v22;
	v22 =	vmul.f32 $-3.199800010e+00, v23  }
0x1a6: {  	(erf) = vpow2.f32 v25;
	v20 =	vmul.f32 $1.442695020e+00, v20  }
0x1a7: {  	(erf) = vpow2.f32 v27;
	v21 =	vmul.f32 $1.442695020e+00, v21  }
0x1a8: {  	v22 =	vmul.f32 $1.442695020e+00, v22;
	(erf) = vpow2.f32 v19  }
0x1a9: {  	v19 =	vpop (erf);
	(erf) = vpow2.f32 v20  }
0x1aa: {  	v20 =	vpop (erf);
	(erf) = vpow2.f32 v21  }
0x1ab: {  	v21 =	vpop (erf);
	(erf) = vpow2.f32 v22  }
0x1ac: {  	v22 =	vpop (erf);
	(erf) = vrcp.f32 v8  }
0x1ad: {  	v8 =	vmul.f32 v19, v2;
	v19 =	vpop (erf);
	(erf) = vrcp.f32 v10  }
0x1ae: {  	v10 =	vmul.f32 v20, v3;
	v20 =	vpop (erf);
	(erf) = vrcp.f32 v12  }
0x1af: {  	v12 =	vmul.f32 v21, v2;
	v21 =	vmul.f32 v22, v3  }
0x1b0: {  	v22 =	vpop (erf);
	v8 =	vadd.f32 v10, v8;
	v10 =	vmul.f32 v19, v2;
	v19 =	vmul.f32 v20, v3  }
0x1b1: {  	v20 =	vpop (erf)  }
0x1b2: {  	v14 =	vmul.f32 v17, v14;
	v17 =	vmul.f32 v20, v0  }
0x1b3: {  	v13 =	vmul.f32 v15, v13;
	v12 =	vadd.f32 v21, v12;
	v15 =	vmul.f32 v22, v0;
	v21 =	vpop (erf)  }
0x1b4: {  	v10 =	vadd.f32 v19, v10;
	v19 =	vpop (erf)  }
0x1b5: {  	v16 =	vmul.f32 v18, v16;
	v8 =	vadd.f32 v8, v15;
	v15 =	vmul.f32 v21, v0;
	v18 =	vpop (erf)  }
0x1b6: {  	v5 =	vmul.f32 v11, v5;
	v12 =	vadd.f32 v12, v17;
	v11 =	vmul.f32 v19, v1;
	v17 =	vpop (erf)  }
0x1b7: {  	s0 =	sadd.s32 $0x40, s15;
	v6 =	vmul.f32 v9, v6;
	v18 =	vmul.f32 v18, v1;
	v10 =	vadd.f32 v10, v15;
	v9 =	vpop (erf)  }
0x1b8: {  	[tilespmem:s0+$0x10] =	vst v24;
	v8 =	vadd.f32 v8, v11;
	v11 =	vmul.f32 v17, v1;
	v9 =	vmul.f32 v13, v9;
	v13 =	vpop (erf)  }
0x1b9: {  	v4 =	vmul.f32 v7, v4;
	[tilespmem:s1+$0xFFFFFFE0] =	vst v5;
	v5 =	vadd.f32 v12, v18;
	v7 =	vpop (erf);
	v12 =	vmul.f32 v14, v13  }
0x1ba: {  	[tilespmem:s1+$0xFFFFFFF0] =	vst v6;
	v6 =	vadd.f32 v10, v11;
	v7 =	vmul.f32 v16, v7;
	v8 =	vmul.f32 v8, v9  }
0x1bb: {  	[tilespmem:s1+$0x0] =	vst v4;
	v4 =	vmul.f32 v5, v12  }
0x1bc: {  	[tilespmem:s0+$0xFFFFFFE0] =	vst v8;
	v5 =	vmul.f32 v6, v7  }
0x1bd: {  	[tilespmem:s0+$0xFFFFFFF0] =	vst v4  }
0x1be: {  	[tilespmem:s0+$0x0] =	vst v5  }
0x1bf: {  	v4 =	vld [tilespmem:$0x9F00]  }
0x1c0: {  	v5 =	vld [tilespmem:$0xED80];
	_ =	sdelay $0x6  }
0x1c1: {  	v6 =	vld.idx.msk [tilespmem:v4+s28+$0x0], $0xffff  }
0x1c2: {  	v7 =	vld.idx.msk [tilespmem:v5+s28+$0x0], $0xffff;
	_ =	sdelay $0x1  }
0x1c3: {  	v8 =	vld [tilespmem:$0x13C00];
	_ =	sdelay $0x2  }
0x1c4: {  	v6 =	vadd.f32 v7, v6;
	_ =	sdelay $0x1  }
0x1c5: {  	v6 =	vmul.f32 v6, v8;
	_ =	sdelay $0x1  }
0x1c6: {  	v7 =	vmul.f32 $-2.016199980e-01, v6  }
0x1c7: {  	v9 =	vmul.f32 $-4.029000100e-01, v6  }
0x1c8: {  	v7 =	vmul.f32 $1.442695020e+00, v7  }
0x1c9: {  	v9 =	vmul.f32 $1.442695020e+00, v9  }
0x1ca: {  	(erf) = vpow2.f32 v7;
	v7 =	vmul.f32 $-9.422900080e-01, v6  }
0x1cb: {  	v6 =	vmul.f32 $-3.199800010e+00, v6  }
0x1cc: {  	(erf) = vpow2.f32 v9;
	v7 =	vmul.f32 $1.442695020e+00, v7;
	_ =	sdelay $0x1  }
0x1cd: {  	v6 =	vmul.f32 $1.442695020e+00, v6;
	(erf) = vpow2.f32 v7;
	_ =	sdelay $0x1  }
0x1ce: {  	(erf) = vpow2.f32 v6;
	_ =	sdelay $0x1  }
0x1cf: {  	(erf) = vrcp.f32 v8;
	_ =	sdelay $0x1  }
0x1d0: {  	v4 =	vld.idx.msk [tilespmem:v4+s26+$0x0], $0xffff;
	v6 =	vpop (erf)  }
0x1d1: {  	v5 =	vld.idx.msk [tilespmem:v5+s26+$0x0], $0xffff;
	v7 =	vpop (erf)  }
0x1d2: {  	v6 =	vmul.f32 v6, v2;
	v7 =	vmul.f32 v7, v3  }
0x1d3: {  	v8 =	vpop (erf)  }
0x1d4: {  	v6 =	vadd.f32 v7, v6;
	v7 =	vmul.f32 v8, v0  }
0x1d5: {  	v8 =	vpop (erf)  }
0x1d6: {  	v4 =	vmul.f32 v5, v4;
	v6 =	vadd.f32 v6, v7;
	v7 =	vmul.f32 v8, v1  }
0x1d7: {  	v5 =	vpop (erf)  }
0x1d8: {  	v4 =	vmul.f32 v4, v5;
	v6 =	vadd.f32 v6, v7;
	_ =	sdelay $0x1  }
0x1d9: {  	v4 =	vmul.f32 v6, v4;
	_ =	sdelay $0x1  }
0x1da: {  	[tilespmem:$0x18A80] =	vst v4  }
0x1db: {  	[hbm4b:s12+s3] =	stream.linear.scatter [tilespmem:s29], [sflag:$0x1], $0x2710, $0x38;
	[tilespmem:$0x1B200] =	vst v63  }
0x1dc: {  	_ =	swait.ge [sflag:s25], $0x2710  }
0x1dd: {  	[sflag:s25] =	ssyncset.done $0x0  }
0x1de: {  	[sflag:s25] =	ssyncadd.s32 $0xFFFFD8F0  }
0x1df: {  	_ =	swait.ge [sflag:s25], $0x2710  }
0x1e0: {  	[sflag:s25] =	ssyncset.done $0x0  }
0x1e1: {  	[sflag:s25] =	ssyncadd.s32 $0xFFFFD8F0  }
0x1e2: {  	_ =	swait.ge [sflag:s25], $0x2710  }
0x1e3: {  	[sflag:s25] =	ssyncset.done $0x0  }
0x1e4: {  	s15 =	simm.s32 $0x9F40;
	[sflag:s25] =	ssyncadd.s32 $0xFFFFD8F0  }
0x1e5: {  	s16 =	simm.s32 $0xEDC0;
	v4 =	vld [tilespmem:s15+$0x0]  }
0x1e6: {  	v5 =	vld [tilespmem:s16+$0x0]  }
0x1e7: {  	v6 =	vld [tilespmem:s16+$0xFFFFFFD0]  }
0x1e8: {  	v7 =	vld [tilespmem:s15+$0xFFFFFFE0]  }
0x1e9: {  	v8 =	vld [tilespmem:s16+$0xFFFFFFE0]  }
0x1ea: {  	v9 =	vld [tilespmem:s15+$0xFFFFFFF0]  }
0x1eb: {  	v10 =	vld [tilespmem:s16+$0xFFFFFFF0]  }
0x1ec: {  	s17 =	simm.s32 $0x13C40;
	v11 =	vld [tilespmem:s15+$0xFFFFFFD0]  }
0x1ed: {  	v14 =	vld [tilespmem:s17+$0x0]  }
0x1ee: {  	v20 =	vld [tilespmem:s17+$0xFFFFFFD0]  }
0x1ef: {  	v12 =	vld.idx.msk [tilespmem:v4+s28+$0x0], $0xffff  }
0x1f0: {  	v13 =	vld.idx.msk [tilespmem:v5+s28+$0x0], $0xffff  }
0x1f1: {  	v15 =	vld.idx.msk [tilespmem:v6+s28+$0x0], $0xffff  }
0x1f2: {  	v16 =	vld.idx.msk [tilespmem:v7+s28+$0x0], $0xffff  }
0x1f3: {  	v17 =	vld.idx.msk [tilespmem:v8+s28+$0x0], $0xffff  }
0x1f4: {  	v18 =	vld.idx.msk [tilespmem:v11+s28+$0x0], $0xffff  }
0x1f5: {  	v4 =	vld.idx.msk [tilespmem:v4+s26+$0x0], $0xffff  }
0x1f6: {  	v5 =	vld.idx.msk [tilespmem:v5+s26+$0x0], $0xffff  }
0x1f7: {  	v22 =	vld [tilespmem:s17+$0xFFFFFFE0];
	_ =	sdelay $0x1  }
0x1f8: {  	v12 =	vadd.f32 v13, v12  }
0x1f9: {  	v19 =	vld.idx.msk [tilespmem:v10+s28+$0x0], $0xffff;
	v15 =	vadd.f32 v15, v18;
	v16 =	vadd.f32 v17, v16  }
0x1fa: {  	v13 =	vld.idx.msk [tilespmem:v9+s28+$0x0], $0xffff;
	v4 =	vmul.f32 v5, v4;
	v12 =	vmul.f32 v12, v14  }
0x1fb: {  	v15 =	vmul.f32 v15, v20;
	v16 =	vmul.f32 v16, v22  }
0x1fc: {  	v25 =	vld [tilespmem:s17+$0xFFFFFFF0];
	v21 =	vmul.f32 $-2.016199980e-01, v12;
	v23 =	vmul.f32 $-4.029000100e-01, v12  }
0x1fd: {  	v24 =	vmul.f32 $-9.422900080e-01, v12;
	v12 =	vmul.f32 $-3.199800010e+00, v12  }
0x1fe: {  	v26 =	vmul.f32 $-9.422900080e-01, v15;
	v28 =	vmul.f32 $-9.422900080e-01, v16  }
0x1ff: {  	v13 =	vadd.f32 v19, v13;
	v19 =	vmul.f32 $-4.029000100e-01, v16;
	v21 =	vmul.f32 $1.442695020e+00, v21  }
0x200: {  	v18 =	vmul.f32 $1.442695020e+00, v23;
	v17 =	vmul.f32 $1.442695020e+00, v24  }
0x201: {  	v12 =	vmul.f32 $1.442695020e+00, v12;
	v13 =	vmul.f32 v13, v25  }
0x202: {  	v19 =	vmul.f32 $1.442695020e+00, v19;
	(erf) = vpow2.f32 v21  }
0x203: {  	(erf) = vpow2.f32 v18;
	v18 =	vmul.f32 $-4.029000100e-01, v15  }
0x204: {  	v21 =	vmul.f32 $-2.016199980e-01, v13;
	(erf) = vpow2.f32 v17  }
0x205: {  	v17 =	vmul.f32 $-2.016199980e-01, v15;
	v15 =	vmul.f32 $-3.199800010e+00, v15  }
0x206: {  	(erf) = vpow2.f32 v12;
	v12 =	vmul.f32 $-2.016199980e-01, v16  }
0x207: {  	v18 =	vmul.f32 $1.442695020e+00, v18;
	v21 =	vmul.f32 $1.442695020e+00, v21  }
0x208: {  	s0 =	simm.s32 $0xEE00;
	v16 =	vmul.f32 $-3.199800010e+00, v16;
	(erf) = vrcp.f32 v14  }
0x209: {  	s2 =	simm.s32 $0x13C80;
	v31 =	vld [tilespmem:s0+$0xFFFFFFF0];
	v14 =	vmul.f32 $1.442695020e+00, v17;
	v17 =	vmul.f32 $-4.029000100e-01, v13  }
0x20a: {  	v32 =	vld [tilespmem:s2+$0x0];
	v12 =	vmul.f32 $1.442695020e+00, v12;
	v16 =	vmul.f32 $1.442695020e+00, v16  }
0x20b: {  	v11 =	vld.idx.msk [tilespmem:v11+s26+$0x0], $0xffff;
	v17 =	vmul.f32 $1.442695020e+00, v17;
	(erf) = vpow2.f32 v14  }
0x20c: {  	v6 =	vld.idx.msk [tilespmem:v6+s26+$0x0], $0xffff;
	v14 =	vmul.f32 $-9.422900080e-01, v13;
	(erf) = vpow2.f32 v18  }
0x20d: {  	v7 =	vld.idx.msk [tilespmem:v7+s26+$0x0], $0xffff;
	v13 =	vmul.f32 $-3.199800010e+00, v13;
	(erf) = vpow2.f32 v12  }
0x20e: {  	v8 =	vld.idx.msk [tilespmem:v8+s26+$0x0], $0xffff;
	v12 =	vmul.f32 $1.442695020e+00, v26;
	v14 =	vmul.f32 $1.442695020e+00, v14  }
0x20f: {  	s18 =	simm.s32 $0x9F80;
	v10 =	vld.idx.msk [tilespmem:v10+s26+$0x0], $0xffff;
	v23 =	vpop (erf);
	(erf) = vpow2.f32 v19;
	v19 =	vmul.f32 $1.442695020e+00, v28  }
0x210: {  	v26 =	vld [tilespmem:s18+$0x0];
	v24 =	vpop (erf);
	v23 =	vmul.f32 v23, v2;
	(erf) = vpow2.f32 v21  }
0x211: {  	v24 =	vmul.f32 v24, v3;
	v27 =	vpop (erf);
	(erf) = vpow2.f32 v17;
	v17 =	vld [tilespmem:s0+$0x0]  }
0x212: {  	v39 =	vld.idx.msk [tilespmem:v31+s28+$0x0], $0xffff;
	v27 =	vmul.f32 v27, v0;
	(erf) = vpow2.f32 v12  }
0x213: {  	v9 =	vld.idx.msk [tilespmem:v9+s26+$0x0], $0xffff;
	v29 =	vpop (erf);
	v12 =	vmul.f32 $1.442695020e+00, v15;
	(erf) = vpow2.f32 v19;
	v15 =	vadd.f32 v24, v23  }
0x214: {  	v13 =	vmul.f32 $1.442695020e+00, v13;
	v28 =	vld [tilespmem:s0+$0xFFFFFFD0];
	v19 =	vpop (erf);
	(erf) = vpow2.f32 v14  }
0x215: {  	v18 =	vmul.f32 v29, v1;
	v24 =	vld [tilespmem:s18+$0xFFFFFFE0];
	v14 =	vpop (erf);
	(erf) = vpow2.f32 v12;
	v12 =	vadd.f32 v15, v27  }
0x216: {  	v29 =	vld [tilespmem:s0+$0xFFFFFFE0];
	v4 =	vmul.f32 v4, v19;
	v5 =	vpop (erf);
	(erf) = vpow2.f32 v16  }
0x217: {  	v16 =	vld [tilespmem:s18+$0xFFFFFFD0];
	v15 =	vpop (erf);
	(erf) = vpow2.f32 v13;
	v12 =	vadd.f32 v12, v18  }
0x218: {  	v18 =	vld.idx.msk [tilespmem:v26+s28+$0x0], $0xffff;
	v13 =	vpop (erf);
	(erf) = vrcp.f32 v20;
	v15 =	vmul.f32 v15, v2  }
0x219: {  	v19 =	vpop (erf);
	v20 =	vld.idx.msk [tilespmem:v17+s28+$0x0], $0xffff;
	(erf) = vrcp.f32 v22;
	v30 =	vmul.f32 v12, v4  }
0x21a: {  	v27 =	vld [tilespmem:s18+$0xFFFFFFF0];
	v13 =	vmul.f32 v13, v3;
	v4 =	vpop (erf);
	(erf) = vrcp.f32 v25  }
0x21b: {  	v6 =	vmul.f32 v6, v11;
	v26 =	vld.idx.msk [tilespmem:v26+s26+$0x0], $0xffff;
	v25 =	vmul.f32 v5, v3;
	v5 =	vpop (erf)  }
0x21c: {  	v7 =	vmul.f32 v8, v7;
	v9 =	vmul.f32 v10, v9;
	v13 =	vadd.f32 v13, v15;
	v15 =	vld.idx.msk [tilespmem:v17+s26+$0x0], $0xffff;
	v12 =	vpop (erf)  }
0x21d: {  	v8 =	vld [tilespmem:s2+$0xFFFFFFD0];
	v14 =	vmul.f32 v14, v2;
	v19 =	vmul.f32 v19, v2;
	v11 =	vpop (erf)  }
0x21e: {  	v21 =	vld.idx.msk [tilespmem:v28+s28+$0x0], $0xffff;
	v33 =	vmul.f32 v4, v3;
	v34 =	vmul.f32 v5, v0;
	v4 =	vpop (erf);
	v5 =	vadd.f32 v20, v18  }
0x21f: {  	v22 =	vld.idx.msk [tilespmem:v24+s28+$0x0], $0xffff;
	v20 =	vmul.f32 v12, v0;
	v11 =	vmul.f32 v11, v0;
	v12 =	vpop (erf)  }
0x220: {  	v37 =	vld.idx.msk [tilespmem:v16+s28+$0x0], $0xffff;
	v38 =	vmul.f32 v4, v1;
	v35 =	vpop (erf);
	v36 =	vmul.f32 v5, v32  }
0x221: {  	v55 =	vmul.f32 v12, v1;
	v61 =	vadd.f32 v13, v20;
	v13 =	vld.idx.msk [tilespmem:v16+s26+$0x0], $0xffff;
	v16 =	vmul.f32 v15, v26;
	v4 =	vpop (erf)  }
0x222: {  	v18 =	vld.idx.msk [tilespmem:v29+s28+$0x0], $0xffff;
	v5 =	vmul.f32 v6, v4;
	v4 =	vpop (erf);
	v40 =	vmul.f32 $-2.016199980e-01, v36  }
0x223: {  	v23 =	vld.idx.msk [tilespmem:v27+s28+$0x0], $0xffff;
	v10 =	vpop (erf);
	v6 =	vmul.f32 v7, v4;
	v7 =	vmul.f32 $-4.029000100e-01, v36  }
0x224: {  	v4 =	vmul.f32 v9, v10;
	v10 =	vld [tilespmem:s2+$0xFFFFFFE0];
	v9 =	vmul.f32 $1.442695020e+00, v40  }
0x225: {  	v35 =	vmul.f32 v35, v1;
	v21 =	vadd.f32 v21, v37;
	v7 =	vmul.f32 $1.442695020e+00, v7  }
0x226: {  	v12 =	vld [tilespmem:s2+$0xFFFFFFF0];
	(erf) = vpow2.f32 v9;
	v9 =	vmul.f32 $-9.422900080e-01, v36  }
0x227: {  	v18 =	vadd.f32 v18, v22;
	v21 =	vmul.f32 v21, v8;
	v36 =	vmul.f32 $-3.199800010e+00, v36  }
0x228: {  	(erf) = vpow2.f32 v7;
	v9 =	vmul.f32 $1.442695020e+00, v9  }
0x229: {  	v7 =	vadd.f32 v39, v23;
	v62 =	vmul.f32 $-9.422900080e-01, v21;
	v22 =	vmul.f32 v18, v10  }
0x22a: {  	v18 =	vmul.f32 $1.442695020e+00, v36;
	(erf) = vpow2.f32 v9  }
0x22b: {  	v23 =	vmul.f32 v7, v12;
	v7 =	vmul.f32 $-4.029000100e-01, v21  }
0x22c: {  	v9 =	vmul.f32 $-2.016199980e-01, v21;
	(erf) = vpow2.f32 v18  }
0x22d: {  	v18 =	vmul.f32 $-2.016199980e-01, v22;
	v56 =	vmul.f32 $-4.029000100e-01, v22  }
0x22e: {  	v57 =	vmul.f32 $-2.016199980e-01, v23;
	(erf) = vrcp.f32 v32  }
0x22f: {  	v14 =	vadd.f32 v25, v14;
	v25 =	vmul.f32 $-4.029000100e-01, v23;
	v9 =	vmul.f32 $1.442695020e+00, v9  }
0x230: {  	v7 =	vmul.f32 $1.442695020e+00, v7;
	v63 =	vmul.f32 $-9.422900080e-01, v22;
	v17 =	vpop (erf)  }
0x231: {  	v26 =	vmul.f32 $-9.422900080e-01, v23;
	v18 =	vmul.f32 $1.442695020e+00, v18;
	v59 =	vpop (erf)  }
0x232: {  	v19 =	vadd.f32 v33, v19;
	v17 =	vmul.f32 v17, v2;
	v60 =	vmul.f32 v59, v3  }
0x233: {  	v14 =	vadd.f32 v14, v34;
	v58 =	vmul.f32 $1.442695020e+00, v56;
	(erf) = vpow2.f32 v9;
	v9 =	vpop (erf)  }
0x234: {  	v32 =	vmul.f32 $1.442695020e+00, v57;
	v17 =	vadd.f32 v60, v17;
	v9 =	vmul.f32 v9, v0  }
0x235: {  	v19 =	vadd.f32 v19, v11;
	v20 =	vmul.f32 $1.442695020e+00, v25;
	(erf) = vpow2.f32 v7;
	v11 =	vpop (erf)  }
0x236: {  	v15 =	vld.idx.msk [tilespmem:v28+s26+$0x0], $0xffff;
	(erf) = vpow2.f32 v18;
	v9 =	vadd.f32 v17, v9;
	v17 =	vmul.f32 v11, v1  }
0x237: {  	v25 =	vmul.f32 $1.442695020e+00, v62;
	v18 =	vld.idx.msk [tilespmem:v31+s26+$0x0], $0xffff;
	(erf) = vpow2.f32 v58;
	v7 =	vpop (erf)  }
0x238: {  	s15 =	simm.s32 $0x18AC0;
	v11 =	vadd.f32 v14, v38;
	v14 =	vld.idx.msk [tilespmem:v24+s26+$0x0], $0xffff;
	v28 =	vmul.f32 v16, v7;
	v24 =	vadd.f32 v9, v17  }
0x239: {  	[tilespmem:s15+$0x0] =	vst v30;
	(erf) = vpow2.f32 v32;
	v16 =	vld.idx.msk [tilespmem:v27+s26+$0x0], $0xffff;
	v27 =	vmul.f32 $1.442695020e+00, v63  }
0x23a: {  	s1 =	simm.s32 $0x18AC0;
	s16 =	simm.s32 $0x2750;
	s17 =	simm.s32 $0x9FC0;
	v7 =	vadd.f32 v19, v35;
	v17 =	vld.idx.msk [tilespmem:v29+s26+$0x0], $0xffff;
	v9 =	vadd.f32 v61, v55;
	v24 =	vmul.f32 v24, v28  }
.LBB2_14:
0x23b: {  	v19 =	vld [tilespmem:s17+$0x0];
	v26 =	vmul.f32 $1.442695020e+00, v26;
	s0 =	sadd.s32 $0x40, s0;
	(erf) = vpow2.f32 v20;
	s15 =	sadd.s32 $0x40, s15  }
0x23c: {  	v21 =	vmul.f32 $-3.199800010e+00, v21;
	v22 =	vmul.f32 $-3.199800010e+00, v22;
	v20 =	vld [tilespmem:s0+$0x0];
	[tilespmem:s15+$0x0] =	vst v24  }
0x23d: {  	s16 =	sadd.s32 $0x40, s16;
	v23 =	vmul.f32 $-3.199800010e+00, v23;
	v24 =	vld [tilespmem:s0+$0xFFFFFFD0];
	(erf) = vpow2.f32 v25  }
0x23e: {  	p0 =	slt.u32 s16, $0x4DD0;
	v21 =	vmul.f32 $1.442695020e+00, v21;
	v25 =	vld [tilespmem:s17+$0xFFFFFFE0];
	v28 =	vpop (erf);
	(erf) = vpow2.f32 v27  }
0x23f: {  	v22 =	vmul.f32 $1.442695020e+00, v22;
	v27 =	vld [tilespmem:s0+$0xFFFFFFE0];
	(erf) = vpow2.f32 v26  }
0x240: {  	v23 =	vmul.f32 $1.442695020e+00, v23;
	v26 =	vld [tilespmem:s17+$0xFFFFFFF0];
	v29 =	vpop (erf);
	(erf) = vpow2.f32 v21  }
0x241: {  	v21 =	vmul.f32 v28, v2;
	v30 =	vld [tilespmem:s0+$0xFFFFFFF0];
	v28 =	vpop (erf);
	(erf) = vpow2.f32 v22  }
0x242: {  	v29 =	vmul.f32 v29, v3;
	v22 =	vld [tilespmem:s17+$0xFFFFFFD0];
	v31 =	vpop (erf);
	(erf) = vpow2.f32 v23  }
0x243: {  	v33 =	vmul.f32 v28, v2;
	v23 =	vld.idx.msk [tilespmem:v19+s28+$0x0], $0xffff;
	(erf) = vrcp.f32 v8;
	v8 =	vpop (erf)  }
0x244: {  	v21 =	vadd.f32 v29, v21;
	v29 =	vmul.f32 v31, v3;
	v32 =	vld.idx.msk [tilespmem:v20+s28+$0x0], $0xffff;
	(erf) = vrcp.f32 v10;
	v10 =	vpop (erf)  }
0x245: {  	v8 =	vmul.f32 v8, v2;
	v31 =	vld.idx.msk [tilespmem:v24+s28+$0x0], $0xffff;
	(erf) = vrcp.f32 v12  }
0x246: {  	v13 =	vmul.f32 v15, v13;
	s2 =	sadd.s32 $0x40, s2;
	v15 =	vadd.f32 v29, v33;
	v34 =	vmul.f32 v10, v3;
	v12 =	vld.idx.msk [tilespmem:v25+s28+$0x0], $0xffff;
	v28 =	vpop (erf)  }
0x247: {  	v14 =	vmul.f32 v17, v14;
	v29 =	vld [tilespmem:s2+$0x0];
	v35 =	vmul.f32 v28, v0;
	v17 =	vpop (erf)  }
0x248: {  	v16 =	vmul.f32 v18, v16;
	v8 =	vadd.f32 v34, v8;
	v33 =	vld.idx.msk [tilespmem:v27+s28+$0x0], $0xffff;
	v36 =	vmul.f32 v17, v0;
	v10 =	vpop (erf)  }
0x249: {  	v5 =	vmul.f32 v11, v5;
	v18 =	vld.idx.msk [tilespmem:v26+s28+$0x0], $0xffff;
	v21 =	vadd.f32 v21, v35;
	v35 =	vmul.f32 v10, v0;
	v28 =	vpop (erf)  }
0x24a: {  	v11 =	vadd.f32 v32, v23;
	v34 =	vld.idx.msk [tilespmem:v22+s28+$0x0], $0xffff;
	v23 =	vmul.f32 v28, v1;
	v36 =	vadd.f32 v15, v36;
	v17 =	vpop (erf)  }
0x24b: {  	v6 =	vmul.f32 v9, v6;
	v28 =	vld.idx.msk [tilespmem:v30+s28+$0x0], $0xffff;
	v17 =	vmul.f32 v17, v1;
	v32 =	vadd.f32 v8, v35;
	v10 =	vpop (erf)  }
0x24c: {  	v8 =	vld [tilespmem:s2+$0xFFFFFFD0];
	v35 =	vmul.f32 v11, v29;
	v11 =	vadd.f32 v21, v23;
	v37 =	vmul.f32 v10, v1;
	v9 =	vpop (erf);
	[tilespmem:s1+$0xFFFFFFD0] =	vst v5  }
0x24d: {  	v4 =	vmul.f32 v7, v4;
	v10 =	vld [tilespmem:s2+$0xFFFFFFE0];
	v5 =	vmul.f32 v13, v9;
	v9 =	vadd.f32 v36, v17;
	v15 =	vpop (erf);
	[tilespmem:s1+$0xFFFFFFE0] =	vst v6  }
0x24e: {  	v23 =	vadd.f32 v33, v12;
	v12 =	vld [tilespmem:s2+$0xFFFFFFF0];
	v17 =	vmul.f32 $-2.016199980e-01, v35;
	v7 =	vadd.f32 v32, v37;
	v21 =	vpop (erf)  }
0x24f: {  	v6 =	vmul.f32 v14, v15;
	v13 =	vld.idx.msk [tilespmem:v22+s26+$0x0], $0xffff;
	v22 =	vmul.f32 $-4.029000100e-01, v35;
	[tilespmem:s1+$0xFFFFFFF0] =	vst v4;
	s1 =	smov.u32 s15  }
0x250: {  	v4 =	vmul.f32 v16, v21;
	v15 =	vld.idx.msk [tilespmem:v24+s26+$0x0], $0xffff;
	v24 =	vadd.f32 v31, v34;
	v31 =	vmul.f32 $1.442695020e+00, v17  }
0x251: {  	v21 =	vmul.f32 $-9.422900080e-01, v35;
	v14 =	vld.idx.msk [tilespmem:v25+s26+$0x0], $0xffff;
	v25 =	vadd.f32 v28, v18;
	v18 =	vmul.f32 $1.442695020e+00, v22  }
0x252: {  	v17 =	vld.idx.msk [tilespmem:v27+s26+$0x0], $0xffff;
	v27 =	vmul.f32 $-3.199800010e+00, v35;
	(erf) = vpow2.f32 v31  }
0x253: {  	v16 =	vld.idx.msk [tilespmem:v26+s26+$0x0], $0xffff;
	v26 =	vmul.f32 $1.442695020e+00, v21;
	(erf) = vpow2.f32 v18  }
0x254: {  	v22 =	vmul.f32 v23, v10;
	v21 =	vmul.f32 v24, v8;
	v18 =	vld.idx.msk [tilespmem:v30+s26+$0x0], $0xffff  }
0x255: {  	v24 =	vmul.f32 $1.442695020e+00, v27;
	(erf) = vpow2.f32 v26  }
0x256: {  	v23 =	vmul.f32 v25, v12;
	v26 =	vmul.f32 $-2.016199980e-01, v21  }
0x257: {  	v25 =	vmul.f32 $-4.029000100e-01, v21;
	(erf) = vpow2.f32 v24  }
0x258: {  	v27 =	vmul.f32 $-4.029000100e-01, v22;
	v24 =	vmul.f32 $-2.016199980e-01, v22  }
0x259: {  	v28 =	vmul.f32 $-2.016199980e-01, v23;
	(erf) = vrcp.f32 v29  }
0x25a: {  	v29 =	vmul.f32 $1.442695020e+00, v26;
	v26 =	vmul.f32 $-4.029000100e-01, v23;
	v19 =	vld.idx.msk [tilespmem:v19+s26+$0x0], $0xffff  }
0x25b: {  	v30 =	vmul.f32 $1.442695020e+00, v25;
	v24 =	vmul.f32 $1.442695020e+00, v24;
	v25 =	vld.idx.msk [tilespmem:v20+s26+$0x0], $0xffff;
	v20 =	vpop (erf)  }
0x25c: {  	v31 =	vmul.f32 $1.442695020e+00, v27;
	v28 =	vmul.f32 $1.442695020e+00, v28;
	v27 =	vpop (erf)  }
0x25d: {  	v32 =	vmul.f32 v20, v2;
	v27 =	vmul.f32 v27, v3  }
0x25e: {  	v33 =	vmul.f32 $-9.422900080e-01, v21;
	v20 =	vmul.f32 $1.442695020e+00, v26;
	v26 =	vpop (erf)  }
0x25f: {  	v34 =	vmul.f32 $-9.422900080e-01, v22;
	v27 =	vadd.f32 v27, v32;
	v32 =	vmul.f32 v26, v0  }
0x260: {  	v26 =	vmul.f32 $-9.422900080e-01, v23;
	(erf) = vpow2.f32 v29;
	v29 =	vpop (erf)  }
.Ltmp6:
0x261: {  	v19 =	vmul.f32 v25, v19;
	v27 =	vadd.f32 v27, v32;
	v29 =	vmul.f32 v29, v1;
	(pc) =	sbr.rel @p0 .LBB2_14-.Ltmp6, $4  }
0x262: {  	v25 =	vmul.f32 $1.442695020e+00, v33;
	(erf) = vpow2.f32 v30;
	v30 =	vpop (erf)  }
0x263: {  	v29 =	vadd.f32 v27, v29;
	v19 =	vmul.f32 v19, v30;
	(erf) = vpow2.f32 v24  }
0x264: {  	v27 =	vmul.f32 $1.442695020e+00, v34;
	(erf) = vpow2.f32 v31  }
0x265: {  	s17 =	sadd.s32 $0x40, s17;
	v24 =	vmul.f32 v29, v19;
	(erf) = vpow2.f32 v28  }
0x266: {  	v19 =	vmul.f32 $1.442695020e+00, v26;
	(erf) = vpow2.f32 v20  }
0x267: {  	v53 =	vmul.f32 $-3.199800010e+00, v21;
	v54 =	vmul.f32 $-3.199800010e+00, v22  }
0x268: {  	v55 =	vmul.f32 $-3.199800010e+00, v23;
	(erf) = vpow2.f32 v25  }
0x269: {  	v20 =	vmul.f32 $1.442695020e+00, v53;
	(erf) = vpow2.f32 v27  }
0x26a: {  	v21 =	vmul.f32 $1.442695020e+00, v54;
	(erf) = vpow2.f32 v19  }
0x26b: {  	v22 =	vmul.f32 $1.442695020e+00, v55;
	v56 =	vpop (erf);
	(erf) = vpow2.f32 v20  }
0x26c: {  	v57 =	vpop (erf);
	(erf) = vpow2.f32 v21  }
0x26d: {  	v13 =	vmul.f32 v15, v13;
	v58 =	vpop (erf);
	(erf) = vpow2.f32 v22  }
0x26e: {  	v14 =	vmul.f32 v17, v14;
	v59 =	vpop (erf);
	(erf) = vrcp.f32 v8  }
0x26f: {  	v16 =	vmul.f32 v18, v16;
	v61 =	vpop (erf);
	(erf) = vrcp.f32 v10  }
0x270: {  	v5 =	vmul.f32 v11, v5;
	v63 =	vpop (erf);
	(erf) = vrcp.f32 v12  }
0x271: {  	v60 =	vmul.f32 v56, v2;
	v62 =	vmul.f32 v57, v3;
	v27 =	vpop (erf)  }
0x272: {  	v25 =	vmul.f32 v58, v2;
	v26 =	vmul.f32 v59, v3;
	v30 =	vpop (erf)  }
0x273: {  	v28 =	vmul.f32 v61, v2;
	v29 =	vmul.f32 v63, v3;
	v32 =	vpop (erf)  }
0x274: {  	v8 =	vadd.f32 v62, v60;
	v12 =	vadd.f32 v26, v25;
	v31 =	vmul.f32 v27, v0;
	v34 =	vpop (erf)  }
0x275: {  	v33 =	vmul.f32 v30, v0;
	v10 =	vadd.f32 v29, v28;
	v35 =	vmul.f32 v32, v0;
	v36 =	vpop (erf)  }
0x276: {  	v6 =	vmul.f32 v9, v6;
	v8 =	vadd.f32 v8, v31;
	v37 =	vmul.f32 v34, v1;
	v38 =	vpop (erf)  }
0x277: {  	s0 =	sadd.s32 $0x40, s15;
	v12 =	vadd.f32 v12, v33;
	v18 =	vmul.f32 v36, v1;
	v10 =	vadd.f32 v10, v35;
	v39 =	vpop (erf)  }
0x278: {  	[tilespmem:s0+$0x0] =	vst v24;
	v8 =	vadd.f32 v8, v37;
	v40 =	vmul.f32 v38, v1;
	v9 =	vmul.f32 v13, v39;
	v41 =	vpop (erf)  }
0x279: {  	v4 =	vmul.f32 v7, v4;
	[tilespmem:s1+$0xFFFFFFD0] =	vst v5;
	v42 =	vadd.f32 v12, v18;
	v43 =	vpop (erf);
	v44 =	vmul.f32 v14, v41  }
0x27a: {  	[tilespmem:s1+$0xFFFFFFE0] =	vst v6;
	v45 =	vadd.f32 v10, v40;
	v7 =	vmul.f32 v16, v43;
	v8 =	vmul.f32 v8, v9  }
0x27b: {  	[tilespmem:s1+$0xFFFFFFF0] =	vst v4;
	v46 =	vmul.f32 v42, v44  }
0x27c: {  	[tilespmem:s0+$0xFFFFFFD0] =	vst v8;
	v47 =	vmul.f32 v45, v7  }
0x27d: {  	[tilespmem:s0+$0xFFFFFFE0] =	vst v46  }
0x27e: {  	[tilespmem:s0+$0xFFFFFFF0] =	vst v47  }
0x27f: {  	v4 =	vld [tilespmem:$0xC610]  }
0x280: {  	v5 =	vld [tilespmem:$0x11490];
	_ =	sdelay $0x6  }
0x281: {  	v48 =	vld.idx.msk [tilespmem:v4+s28+$0x0], $0xffff  }
0x282: {  	v49 =	vld.idx.msk [tilespmem:v5+s28+$0x0], $0xffff;
	_ =	sdelay $0x1  }
0x283: {  	v8 =	vld [tilespmem:$0x16310];
	_ =	sdelay $0x2  }
0x284: {  	v6 =	vadd.f32 v49, v48;
	_ =	sdelay $0x1  }
0x285: {  	v6 =	vmul.f32 v6, v8;
	_ =	sdelay $0x1  }
0x286: {  	v50 =	vmul.f32 $-2.016199980e-01, v6  }
0x287: {  	v51 =	vmul.f32 $-4.029000100e-01, v6  }
0x288: {  	v7 =	vmul.f32 $1.442695020e+00, v50  }
0x289: {  	v52 =	vmul.f32 $-9.422900080e-01, v6;
	v9 =	vmul.f32 $1.442695020e+00, v51  }
0x28a: {  	v6 =	vmul.f32 $-3.199800010e+00, v6;
	(erf) = vpow2.f32 v7  }
0x28b: {  	v7 =	vmul.f32 $1.442695020e+00, v52;
	(erf) = vpow2.f32 v9;
	_ =	sdelay $0x1  }
0x28c: {  	v6 =	vmul.f32 $1.442695020e+00, v6;
	(erf) = vpow2.f32 v7;
	_ =	sdelay $0x1  }
0x28d: {  	(erf) = vpow2.f32 v6;
	_ =	sdelay $0x1  }
0x28e: {  	(erf) = vrcp.f32 v8;
	_ =	sdelay $0x1  }
0x28f: {  	v4 =	vld.idx.msk [tilespmem:v4+s26+$0x0], $0xffff;
	v53 =	vpop (erf)  }
0x290: {  	v5 =	vld.idx.msk [tilespmem:v5+s26+$0x0], $0xffff;
	v54 =	vpop (erf)  }
0x291: {  	v55 =	vmul.f32 v53, v2;
	v56 =	vmul.f32 v54, v3  }
0x292: {  	v57 =	vpop (erf)  }
0x293: {  	v58 =	vmul.f32 v57, v0;
	v2 =	vadd.f32 v56, v55  }
0x294: {  	v59 =	vpop (erf)  }
0x295: {  	v61 =	vmul.f32 v5, v4;
	v60 =	vmul.f32 v59, v1;
	v0 =	vadd.f32 v2, v58  }
0x296: {  	v62 =	vpop (erf)  }
0x297: {  	v63 =	vmul.f32 v61, v62;
	v0 =	vadd.f32 v0, v60;
	_ =	sdelay $0x1  }
0x298: {  	v0 =	vmul.f32 v0, v63;
	_ =	sdelay $0x1  }
0x299: {  	s31 =	sadd.s32 $0x1, s31;
	[tilespmem:$0x1B190] =	vst v0  }
0x29a: {  	[hbm4b:s13+s3] =	stream.linear.scatter [tilespmem:s30], [sflag:$0x1], $0x2710, $0x38;
	[tilespmem:$0x1B200] =	vst v63  }
0x29b: {  	p0 =	sne.s32 s31, s14;
	_ =	swait.ge [sflag:s25], $0x2710  }
.Ltmp7:
0x29c: {  	[sflag:s25] =	ssyncset.done $0x0;
	(pc) =	sbr.rel @p0 .LBB2_1-.Ltmp7, $4  }
.Ltmp8:
0x29d: {  	[sflag:s25] =	ssyncadd.s32 $0xFFFFD8F0;
	(pc) =	sbr.rel @!p0 .LBB2_16-.Ltmp8, $4  }
0x29e: {  	_ =	swait.ge [sflag:s25], $0x2710  }
0x29f: {  	[sflag:s25] =	ssyncset.done $0x0  }
0x2a0: {  	[sflag:s25] =	ssyncadd.s32 $0xFFFFD8F0  }
0x2a1: {  	_ = 	snop  }
.LBB2_4:
.Ltmp9:
0x2a2: {  	(pc) =	sbr.rel .LBB2_11-.Ltmp9, $2  }
0x2a3: {  	_ =	sdelay $0x2  }
0x2a4: {  	s2 =	simm.s32 $0x50A0;
	s15 =	simm.s32 $0x2920;
	v14 =	vmovc v4;
	v13 =	vmov v8;
	v12 =	vmov v7;
	v3 =	vmov v10  }
.LBB2_6:
.Ltmp10:
0x2a5: {  	(pc) =	sbr.rel .LBB2_11-.Ltmp10, $2  }
0x2a6: {  	_ =	sdelay $0x2  }
0x2a7: {  	s2 =	simm.s32 $0x50A0;
	s15 =	simm.s32 $0x2920;
	v3 =	vmov v4  }
.LBB2_8:
.Ltmp11:
0x2a8: {  	(pc) =	sbr.rel .LBB2_11-.Ltmp11, $2  }
0x2a9: {  	_ =	sdelay $0x2  }
0x2aa: {  	s16 =	simm.s32 $0x50A0;
	v14 =	vmovc v11;
	v10 =	vmov v4;
	v13 =	vmov v7;
	v12 =	vmov v8  }
.LBB2_16:
0x2ab: {  	_ =	sfence.sel $0x180000  }
0x2ac: {  	[bflag:$0x0] =	sbarrier.arrive $0xFFFF  }
0x2ad: {  	_ =	strace $0x90000047  }
0x2ae: {  	s0 =	stileid.u32;
	[bflag:$0x2] =	sbarrier.arrive $0xFFFF  }
0x2af: {  	p0 =	sne.s32 s0, $0x0;
	s0 =	rddreg [dreg:$0x4]  }
0x2b0: {  	s0 =	sadd.s32 @!p0 $0x100000, s0  }
0x2b1: {  	[sflag:s0] =	ssyncadd.tile.s32 @!p0 $0x1;
	_ =	shalt  }
.Lfunc_end2:
_tile_overlayer_lowered:
.L_overlay_start_2:
0x2b2: {  	(tag) =	ssettag $0x2  }
0x2b3: {  	s0 =	rddreg [dreg:$0x0];
	s2 =	stileid.u32  }
0x2b4: {  	s1 =	rddreg [dreg:$0x1];
	p0 =	sne.s32 s2, $0x0  }
0x2b5: {  	s3 =	rddreg [dreg:$0x2];
	[bflag:$0x3] =	sbarrier.arrive $0xFFFF;
	s2 =	simm.s32 @!p0 $0x1C02  }
0x2b6: {  	[timem:s3], [sflag:s2] =	dma.local @!p0 [hbm:s0], s1  }
0x2b7: {  	s0 =	simm.s32 @!p0 $0x2  }
0x2b8: {  	_ =	swait.ge @!p0 [sflag:s0], s1  }
0x2b9: {  	s1 =	ssub.s32 @!p0 $0x0, s1;
	[sflag:s0] =	ssyncset.done @!p0 $0x0  }
0x2ba: {  	[sflag:s0] =	ssyncadd.s32 @!p0 s1  }
0x2bb: {  	[bflag:$0x3] =	sbarrier.arrive $0xFFFF  }
0x2bc: {  	_ =	shalt  }

</sc_bundles>
